<compile_context>
chip_gen: v7x
topology: tpu7x:2x2x1
jax: 0.10.2.dev20260603
libtpu: 0.0.44.dev20260713+nightly
codegen_flags: <defaults>
</compile_context>

<pallas_src>
import functools
import math

import jax
import jax.numpy as jnp
from jax import lax
from jax.experimental import pallas as pl
from jax.experimental.pallas import tpu as pltpu
from jax.experimental.pallas import tpu_sc as plsc

B, S, D = 1, 2048, 1024
H = 16
DH = D // H
F = 4096
F2 = F // 2
E = 8
EPS = 1e-05

TS = 256
TQ = 256
TT = 256
NT = S // TT
NW = NT + E - 1
BF2 = 2048
NF = F2 // BF2
LOG2E = math.log2(math.e)

BF16 = jnp.bfloat16
F32 = jnp.float32


def _ln(x, scale, bias):
    mu = jnp.mean(x, axis=-1, keepdims=True)
    xc = x - mu
    var = jnp.mean(xc * xc, axis=-1, keepdims=True)
    return xc * lax.rsqrt(var + EPS) * scale + bias


def _dotT(a, b):
    return lax.dot_general(a, b, (((1,), (1,)), ((), ())),
                           preferred_element_type=F32)


def _ln_qkv_kernel(x_ref, s_ref, b_ref, w_ref, bias_ref, o_ref):
    xn = _ln(x_ref[...], s_ref[...], b_ref[...])
    qkv = _dotT(xn.astype(BF16), w_ref[...]) + bias_ref[...]
    fac = jnp.where(pl.program_id(0) == 0, LOG2E / math.sqrt(DH), 1.0)
    o_ref[...] = (qkv * fac).astype(BF16)


def _attn_kernel(q_ref, k_ref, v_ref, o_ref):
    for sub in range(8):
        sl = slice(sub * DH, (sub + 1) * DH)
        s = _dotT(q_ref[:, sl], k_ref[:, sl])
        m = jnp.max(s, axis=-1, keepdims=True)
        p = jnp.exp2(s - m)
        denom = jnp.sum(p, axis=-1, keepdims=True)
        o = lax.dot_general(p.astype(BF16), v_ref[:, sl],
                            (((1,), (0,)), ((), ())),
                            preferred_element_type=F32)
        o_ref[:, sl] = (o / denom).astype(BF16)


def _proj_router_kernel(o_ref, x_ref, w_ref, b_ref, s2_ref, b2_ref, rw_ref,
                        x1_ref, h2_ref, gate_ref, eidx_ref):
    attn = _dotT(o_ref[...], w_ref[...]) + b_ref[...]
    x1 = x_ref[...] + attn
    x1_ref[...] = x1
    h2 = _ln(x1, s2_ref[...], b2_ref[...])
    h2_ref[...] = h2
    logits = _dotT(h2, rw_ref[...])
    m = jnp.max(logits, axis=-1, keepdims=True)
    p = jnp.exp(logits - m)
    probs = p / jnp.sum(p, axis=-1, keepdims=True)
    gm = jnp.max(probs, axis=-1, keepdims=True)
    gate_ref[...] = gm
    it = lax.broadcasted_iota(jnp.int32, probs.shape, 1)
    eidx_ref[...] = jnp.min(jnp.where(probs >= gm, it, E), axis=-1,
                            keepdims=True)


def _rank_kernel(e_ref, offs_ref, dest_ref, run_ref):
    i = pl.program_id(0)

    @pl.when(i == 0)
    def _():
        run_ref[...] = jnp.zeros_like(run_ref)

    e = e_ref[...]
    oh = (e == lax.broadcasted_iota(jnp.int32, (TS, E), 1))
    ohf = oh.astype(BF16)
    row = lax.broadcasted_iota(jnp.int32, (TS, TS), 0)
    col = lax.broadcasted_iota(jnp.int32, (TS, TS), 1)
    tril = (row >= col).astype(BF16)
    csum = lax.dot_general(tril, ohf, (((1,), (0,)), ((), ())),
                           preferred_element_type=F32)
    ohw = oh.astype(F32)
    rank_inc = jnp.sum(csum * ohw, axis=1, keepdims=True)
    base = jnp.sum(run_ref[...] * ohw, axis=1, keepdims=True)
    offv = jnp.sum(offs_ref[...] * ohw, axis=1, keepdims=True)
    dest_ref[...] = (offv + base + rank_inc - 1.0).astype(jnp.int32)
    run_ref[...] += csum[TS - 1:TS, :]


def _ffn_kernel(tile_r, exp_r, rs_r, re_r, init_r,
                h_ref, wia_ref, wib_ref, wo_ref, o_ref):
    w = pl.program_id(0)
    f = pl.program_id(1)

    @pl.when((init_r[w] == 1) & (f == 0))
    def _():
        o_ref[...] = jnp.zeros_like(o_ref)

    rs = rs_r[w]
    re = re_r[w]

    @pl.when(re > rs)
    def _():
        h = h_ref[...].astype(BF16)
        a = _dotT(h, wia_ref[0])
        b = _dotT(h, wib_ref[0])
        act = a * jax.nn.sigmoid(a) * b
        part = _dotT(act.astype(BF16), wo_ref[0])
        rows = lax.broadcasted_iota(jnp.int32, (TT, 1), 0)
        fac = jnp.where((rows >= rs) & (rows < re), 1.0, 0.0)
        o_ref[...] += fac * part


SC_NC = 2
SC_NWK = 32
BPW = S // SC_NWK


@functools.partial(
    pl.kernel,
    out_type=jax.ShapeDtypeStruct((S, D), F32),
    mesh=plsc.VectorSubcoreMesh(core_axis_name="c", subcore_axis_name="s"),
    scratch_types=[
        pltpu.VMEM((BPW,), jnp.int32),
        pltpu.VMEM((BPW, D), F32),
        pltpu.SemaphoreType.DMA,
    ],
)
def _sc_scatter_rows(src_hbm, dest_hbm, out_hbm, idx_v, rows_v, sem):
    wid = lax.axis_index("s") * SC_NC + lax.axis_index("c")
    base = wid * BPW
    pltpu.sync_copy(dest_hbm.at[pl.ds(base, BPW)], idx_v)
    pltpu.sync_copy(src_hbm.at[pl.ds(base, BPW)], rows_v)
    pltpu.async_copy(rows_v, out_hbm.at[idx_v], sem).wait()


def _worklist(offs):
    tstart = (jnp.arange(NT, dtype=jnp.int32) * TT)[:, None]
    ov_s = jnp.maximum(tstart, offs[:-1][None, :])
    ov_e = jnp.minimum(tstart + TT, offs[1:][None, :])
    valid = (ov_s < ov_e).reshape(-1)
    slotpos = jnp.cumsum(valid.astype(jnp.int32)) - 1
    vcnt = slotpos[-1] + 1
    scat_idx = jnp.where(valid, slotpos, NW)
    flat = jnp.arange(NT * E, dtype=jnp.int32)
    buf = jnp.zeros((NW + 1,), jnp.int32).at[scat_idx].set(flat)
    slot = jnp.arange(NW, dtype=jnp.int32)
    pad = jnp.take(buf, vcnt - 1)
    sel = jnp.where(slot < vcnt, buf[:NW], pad)
    tile_w = sel // E
    exp_w = sel % E
    rs_w = jnp.where(slot < vcnt, ov_s.reshape(-1)[sel] - tile_w * TT, 0)
    re_w = jnp.where(slot < vcnt, ov_e.reshape(-1)[sel] - tile_w * TT, 0)
    init_w = jnp.concatenate(
        [jnp.ones((1,), jnp.int32),
         (tile_w[1:] != tile_w[:-1]).astype(jnp.int32)])
    return tile_w, exp_w, rs_w, re_w, init_w


def kernel(x, ln1_s, ln1_b, in_w, in_b, out_w, out_b, ln2_s, ln2_b,
           router_w, wi, wo):
    x2 = x.reshape(S, D)
    in_w16 = in_w.astype(BF16)
    out_w16 = out_w.astype(BF16)
    wi16 = wi.astype(BF16)
    wo16 = wo.astype(BF16)

    qkv = pl.pallas_call(
        _ln_qkv_kernel,
        grid=(3, S // TS),
        in_specs=[
            pl.BlockSpec((TS, D), lambda j, i: (i, 0)),
            pl.BlockSpec((D,), lambda j, i: (0,)),
            pl.BlockSpec((D,), lambda j, i: (0,)),
            pl.BlockSpec((D, D), lambda j, i: (j, 0)),
            pl.BlockSpec((D,), lambda j, i: (j,)),
        ],
        out_specs=pl.BlockSpec((TS, D), lambda j, i: (i, j)),
        out_shape=jax.ShapeDtypeStruct((S, 3 * D), BF16),
    )(x2, ln1_s, ln1_b, in_w16, in_b)

    o = pl.pallas_call(
        _attn_kernel,
        grid=(H // 8, S // TQ),
        in_specs=[
            pl.BlockSpec((TQ, 8 * DH), lambda h, i: (i, h)),
            pl.BlockSpec((S, 8 * DH), lambda h, i: (0, H // 8 + h)),
            pl.BlockSpec((S, 8 * DH), lambda h, i: (0, 2 * (H // 8) + h)),
        ],
        out_specs=pl.BlockSpec((TQ, 8 * DH), lambda h, i: (i, h)),
        out_shape=jax.ShapeDtypeStruct((S, D), BF16),
    )(qkv, qkv, qkv)

    x1, h2, gate, eidx = pl.pallas_call(
        _proj_router_kernel,
        grid=(S // TS,),
        in_specs=[
            pl.BlockSpec((TS, D), lambda i: (i, 0)),
            pl.BlockSpec((TS, D), lambda i: (i, 0)),
            pl.BlockSpec((D, D), lambda i: (0, 0)),
            pl.BlockSpec((D,), lambda i: (0,)),
            pl.BlockSpec((D,), lambda i: (0,)),
            pl.BlockSpec((D,), lambda i: (0,)),
            pl.BlockSpec((E, D), lambda i: (0, 0)),
        ],
        out_specs=[
            pl.BlockSpec((TS, D), lambda i: (i, 0)),
            pl.BlockSpec((TS, D), lambda i: (i, 0)),
            pl.BlockSpec((TS, 1), lambda i: (i, 0)),
            pl.BlockSpec((TS, 1), lambda i: (i, 0)),
        ],
        out_shape=[
            jax.ShapeDtypeStruct((S, D), F32),
            jax.ShapeDtypeStruct((S, D), F32),
            jax.ShapeDtypeStruct((S, 1), F32),
            jax.ShapeDtypeStruct((S, 1), jnp.int32),
        ],
    )(o, x2, out_w16, out_b, ln2_s, ln2_b, router_w)

    eidx_f = eidx[:, 0]
    counts = jnp.sum(
        (eidx_f[:, None] == jnp.arange(E, dtype=jnp.int32)[None, :])
        .astype(jnp.int32), axis=0)
    offs = jnp.concatenate([jnp.zeros((1,), jnp.int32), jnp.cumsum(counts)])

    dest2 = pl.pallas_call(
        _rank_kernel,
        grid=(S // TS,),
        in_specs=[
            pl.BlockSpec((TS, 1), lambda i: (i, 0)),
            pl.BlockSpec((1, E), lambda i: (0, 0)),
        ],
        out_specs=pl.BlockSpec((TS, 1), lambda i: (i, 0)),
        out_shape=jax.ShapeDtypeStruct((S, 1), jnp.int32),
        scratch_shapes=[pltpu.VMEM((1, E), F32)],
    )(eidx, offs[:E].astype(F32).reshape(1, E))
    dest = dest2[:, 0]

    tile_w, exp_w, rs_w, re_w, init_w = _worklist(offs)

    h2s = _sc_scatter_rows(h2, dest)

    grid_spec = pltpu.PrefetchScalarGridSpec(
        num_scalar_prefetch=5,
        grid=(NW, NF),
        in_specs=[
            pl.BlockSpec((TT, D), lambda w, f, tr, er, rr, rer, ir: (tr[w], 0)),
            pl.BlockSpec((1, BF2, D),
                         lambda w, f, tr, er, rr, rer, ir: (er[w], f, 0)),
            pl.BlockSpec((1, BF2, D),
                         lambda w, f, tr, er, rr, rer, ir: (er[w], NF + f, 0)),
            pl.BlockSpec((1, D, BF2),
                         lambda w, f, tr, er, rr, rer, ir: (er[w], 0, f)),
        ],
        out_specs=pl.BlockSpec((TT, D),
                               lambda w, f, tr, er, rr, rer, ir: (tr[w], 0)),
    )
    moe_s = pl.pallas_call(
        _ffn_kernel,
        grid_spec=grid_spec,
        out_shape=jax.ShapeDtypeStruct((S, D), F32),
    )(tile_w, exp_w, rs_w, re_w, init_w, h2s, wi16, wi16, wo16)

    y = x1 + gate * jnp.take(moe_s, dest, axis=0)
    return y.reshape(B, S, D)

# --- scband reference (transcript-rebuilt; emitter-appended) ---
"""Pipeline reference for scband-sparse-transformer-layer-42674795053797 (READ-ONLY COPY).

The authoritative reference and input builder live on the scoring server;
editing this copy changes nothing except your own understanding.
"""

import jax, jax.numpy as jnp
import numpy as np

B, S, D = 1, 2048, 1024
H = 16
DH = D // H
F = 4096
F2 = F // 2
E = 8
EPS = 1e-05

def setup_inputs(seed: int = 0) -> dict:
    key = jax.random.key(seed)
    ks = jax.random.split(key, 8)
    s = 0.02
    return {
        'x': jax.random.normal(ks[0], (B, S, D), dtype=jnp.float32),
        'ln1_s': jnp.ones((D,), jnp.float32),
        'ln1_b': jnp.zeros((D,), jnp.float32),
        'in_w': jax.random.normal(ks[1], (3 * D, D), dtype=jnp.float32) * s,
        'in_b': jnp.zeros((3 * D,), jnp.float32),
        'out_w': jax.random.normal(ks[2], (D, D), dtype=jnp.float32) * s,
        'out_b': jnp.zeros((D,), jnp.float32),
        'ln2_s': jnp.ones((D,), jnp.float32),
        'ln2_b': jnp.zeros((D,), jnp.float32),
        'router_w': jax.random.normal(ks[3], (E, D), dtype=jnp.float32) * s,
        'wi': jax.random.normal(ks[4], (E, F, D), dtype=jnp.float32) * s,
        'wo': jax.random.normal(ks[5], (E, D, F2), dtype=jnp.float32) * s,
    }

def _layer_norm(x, scale, bias):
    mu = jnp.mean(x, axis=-1, keepdims=True)
    var = jnp.var(x, axis=-1, keepdims=True)
    return (x - mu) / jnp.sqrt(var + EPS) * scale + bias

def reference(x, ln1_s, ln1_b, in_w, in_b, out_w, out_b, ln2_s, ln2_b, router_w, wi, wo):
    # --- self-attention block (pre-norm, dropout is identity in eval) ---
    residual = x
    h = _layer_norm(x, ln1_s, ln1_b)
    qkv = h @ in_w.T + in_b
    q, k, v = jnp.split(qkv, 3, axis=-1)
    def to_heads(t):
        return t.reshape(B, S, H, DH).transpose(0, 2, 1, 3)
    q, k, v = to_heads(q), to_heads(k), to_heads(v)
    scores = (q @ k.transpose(0, 1, 3, 2)) / jnp.sqrt(jnp.float32(DH))
    attn = jax.nn.softmax(scores, axis=-1)
    o = (attn @ v).transpose(0, 2, 1, 3).reshape(B, S, D)
    o = o @ out_w.T + out_b
    x = residual + o
    # --- sparse MoE MLP block (TopKRouter, top_k=1, swiglu experts) ---
    residual = x
    h = _layer_norm(x, ln2_s, ln2_b)
    router_logits = h.astype(jnp.float32) @ router_w.T  # [B,S,E]
    router_probs = jax.nn.softmax(router_logits, axis=-1)
    expert_index = jnp.argmax(router_probs, axis=-1)
    expert_mask = jax.nn.one_hot(expert_index, E, dtype=h.dtype)  # [B,S,E]
    gate = expert_mask * router_probs.astype(h.dtype)
    moe_out = jnp.zeros_like(h)
    for e in range(E):
        hid = h @ wi[e].T  # [B,S,F]
        a, b = jnp.split(hid, 2, axis=-1)
        act = jax.nn.silu(a) * b  # SwiGLU
        eo = act @ wo[e].T  # [B,S,D]
        moe_out = moe_out + eo * gate[..., e:e + 1]
    x = residual + moe_out
    return x

if __name__ == "__main__":
    import jax
    _d = setup_inputs()
    print(jax.jit(kernel)(*tuple(_d.values())))

</pallas_src>

<mosaic_0001>
#map = affine_map<(d0, d1) -> (0, 0)>
#map1 = affine_map<(d0, d1) -> (0)>
module attributes {stable_mosaic.version = 14 : i64} {
  func.func @_sc_scatter_rows(%arg0: i32, %arg1: i32, %arg2: memref<2048x1024xf32, #tpu.memory_space<hbm>>, %arg3: memref<2048xi32, #tpu.memory_space<hbm>>, %arg4: memref<2048x1024xf32, #tpu.memory_space<hbm>>, %arg5: memref<64xi32, #tpu.memory_space<vmem>>, %arg6: memref<64x1024xf32, #tpu.memory_space<vmem>>, %arg7: memref<!tpu.dma_semaphore, #tpu.memory_space<semaphore_mem>>) attributes {dimension_semantics = [#tpu.dimension_semantics<core_parallel>, #tpu.dimension_semantics<subcore_parallel>], iteration_bounds = array<i64: 2, 16>, scalar_prefetch = 0 : i64, scratch_operands = 3 : i64, tpu.core_type = #tpu.core_type<sc_vector_subcore>, window_params = [{transform_indices = #map}, {transform_indices = #map1}, {transform_indices = #map}]} {
    %mul3A = arith.constant 2 : i32
    %mul3A_0 = arith.muli %arg1, %mul3A : i32
    %add3A = arith.addi %mul3A_0, %arg0 : i32
    %mul3A_1 = arith.constant 64 : i32
    %mul3A_2 = arith.muli %add3A, %mul3A_1 : i32
    "tpu.region"() ({
      %run_scoped3A = tpu.sem_alloc : memref<!tpu.dma_semaphore, #tpu.memory_space<semaphore_mem>>
      %dma_start3A_7 = tpu.memref_slice %arg3[%mul3A_2] : memref<2048xi32, #tpu.memory_space<hbm>> -> memref<64xi32, #tpu.memory_space<hbm>>
      %dma_start3A_8 = tpu.memref_slice %arg3[%mul3A_2] : memref<2048xi32, #tpu.memory_space<hbm>> -> memref<64xi32, #tpu.memory_space<hbm>>
      tpu.enqueue_dma source(%dma_start3A_8 : memref<64xi32, #tpu.memory_space<hbm>>) target(%arg5 : memref<64xi32, #tpu.memory_space<vmem>>) target_semaphore(%run_scoped3A : memref<!tpu.dma_semaphore, #tpu.memory_space<semaphore_mem>>)
      %dma_wait3A_9 = tpu.memref_slice %arg3[%mul3A_2] : memref<2048xi32, #tpu.memory_space<hbm>> -> memref<64xi32, #tpu.memory_space<hbm>>
      %dma_wait3A_10 = tpu.memref_slice %arg3[%mul3A_2] : memref<2048xi32, #tpu.memory_space<hbm>> -> memref<64xi32, #tpu.memory_space<hbm>>
      tpu.wait_dma2 semaphore(%run_scoped3A : memref<!tpu.dma_semaphore, #tpu.memory_space<semaphore_mem>>) src(%dma_wait3A_10 : memref<64xi32, #tpu.memory_space<hbm>>) dst(%arg5 : memref<64xi32, #tpu.memory_space<vmem>>)
      tpu.yield
    }) : () -> ()
    "tpu.region"() ({
      %run_scoped3A = tpu.sem_alloc : memref<!tpu.dma_semaphore, #tpu.memory_space<semaphore_mem>>
      %dma_start3A_7 = arith.constant 0 : i32
      %dma_start3A_8 = tpu.memref_slice %arg2[%mul3A_2, %dma_start3A_7] : memref<2048x1024xf32, #tpu.memory_space<hbm>> -> memref<64x1024xf32, #tpu.memory_space<hbm>>
      %dma_start3A_9 = arith.constant 0 : i32
      %dma_start3A_10 = tpu.memref_slice %arg2[%mul3A_2, %dma_start3A_9] : memref<2048x1024xf32, #tpu.memory_space<hbm>> -> memref<64x1024xf32, #tpu.memory_space<hbm>>
      tpu.enqueue_dma source(%dma_start3A_10 : memref<64x1024xf32, #tpu.memory_space<hbm>>) target(%arg6 : memref<64x1024xf32, #tpu.memory_space<vmem>>) target_semaphore(%run_scoped3A : memref<!tpu.dma_semaphore, #tpu.memory_space<semaphore_mem>>)
      %dma_wait3A_11 = arith.constant 0 : i32
      %dma_wait3A_12 = tpu.memref_slice %arg2[%mul3A_2, %dma_wait3A_11] : memref<2048x1024xf32, #tpu.memory_space<hbm>> -> memref<64x1024xf32, #tpu.memory_space<hbm>>
      %dma_wait3A_13 = arith.constant 0 : i32
      %dma_wait3A_14 = tpu.memref_slice %arg2[%mul3A_2, %dma_wait3A_13] : memref<2048x1024xf32, #tpu.memory_space<hbm>> -> memref<64x1024xf32, #tpu.memory_space<hbm>>
      tpu.wait_dma2 semaphore(%run_scoped3A : memref<!tpu.dma_semaphore, #tpu.memory_space<semaphore_mem>>) src(%dma_wait3A_14 : memref<64x1024xf32, #tpu.memory_space<hbm>>) dst(%arg6 : memref<64x1024xf32, #tpu.memory_space<vmem>>)
      tpu.yield
    }) : () -> ()
    %dma_start3A = arith.constant 0 : i32
    %dma_start3A_3 = arith.constant 0 : i32
    %dma_start3A_4 = tpu.memref_slice %arg4[%dma_start3A, %dma_start3A_3] : memref<2048x1024xf32, #tpu.memory_space<hbm>> -> memref<2048x1024xf32, #tpu.memory_space<hbm>>
    tpu.enqueue_indirect_dma source(%arg6 : memref<64x1024xf32, #tpu.memory_space<vmem>>) target(%dma_start3A_4 : memref<2048x1024xf32, #tpu.memory_space<hbm>>) offsets(%arg5 : memref<64xi32, #tpu.memory_space<vmem>>) semaphore(%arg7 : memref<!tpu.dma_semaphore, #tpu.memory_space<semaphore_mem>>)
    %dma_wait3A = arith.constant 0 : i32
    %dma_wait3A_5 = arith.constant 0 : i32
    %dma_wait3A_6 = tpu.memref_slice %arg4[%dma_wait3A, %dma_wait3A_5] : memref<2048x1024xf32, #tpu.memory_space<hbm>> -> memref<2048x1024xf32, #tpu.memory_space<hbm>>
    tpu.wait_indirect_dma semaphore(%arg7 : memref<!tpu.dma_semaphore, #tpu.memory_space<semaphore_mem>>) src(%arg6 : memref<64x1024xf32, #tpu.memory_space<vmem>>) dst(%dma_wait3A_6 : memref<2048x1024xf32, #tpu.memory_space<hbm>>)
    return
  }
}

module attributes {stable_mosaic.version = 14 : i64} {
  func.func @_ln_qkv_kernel(%arg0: i32, %arg1: i32, %arg2: memref<256x1024xf32, #tpu.memory_space<vmem>>, %arg3: memref<1024xf32, #tpu.memory_space<vmem>>, %arg4: memref<1024xf32, #tpu.memory_space<vmem>>, %arg5: memref<1024x1024xbf16, #tpu.memory_space<vmem>>, %arg6: memref<1024xf32, #tpu.memory_space<vmem>>, %arg7: memref<256x1024xbf16, #tpu.memory_space<vmem>>) attributes {dimension_semantics = [#tpu.dimension_semantics<arbitrary>, #tpu.dimension_semantics<arbitrary>], iteration_bounds = array<i64: 3, 8>, scalar_prefetch = 0 : i64, scratch_operands = 0 : i64, tpu.core_type = #tpu.core_type<tc>, window_params = [{transform_indices = @transform_0, window_bounds = array<i64: 256, 1024>}, {pipeline_mode = #tpu.pipeline_mode<synchronous>, transform_indices = @transform_1, window_bounds = array<i64: 1024>}, {pipeline_mode = #tpu.pipeline_mode<synchronous>, transform_indices = @transform_2, window_bounds = array<i64: 1024>}, {transform_indices = @transform_3, window_bounds = array<i64: 1024, 1024>}, {transform_indices = @transform_4, window_bounds = array<i64: 1024>}, {transform_indices = @transform_5, window_bounds = array<i64: 256, 1024>}]} {
    %get3A = arith.constant 0 : index
    %get3A_0 = arith.constant 0 : index
    %get3A_1 = vector.load %arg2[%get3A, %get3A_0] : memref<256x1024xf32, #tpu.memory_space<vmem>>, vector<256x1024xf32>
    %get3A_2 = arith.constant 0 : index
    %get3A_3 = vector.load %arg3[%get3A_2] : memref<1024xf32, #tpu.memory_space<vmem>>, vector<1024xf32>
    %get3A_4 = arith.constant 0 : index
    %get3A_5 = vector.load %arg4[%get3A_4] : memref<1024xf32, #tpu.memory_space<vmem>>, vector<1024xf32>
    %reduce_sum3A = arith.constant dense<0.000000e+00> : vector<256xf32>
    %reduce_sum3A_6 = vector.multi_reduction <add>, %get3A_1, %reduce_sum3A [1] : vector<256x1024xf32> to vector<256xf32>
    %broadcast_in_dim3A = vector.shape_cast %reduce_sum3A_6 : vector<256xf32> to vector<256x1xf32>
    %div3A = arith.constant 1.024000e+03 : f32
    %div3A_7 = vector.broadcast %div3A : f32 to vector<256x1xf32>
    %div3A_8 = arith.divf %broadcast_in_dim3A, %div3A_7 : vector<256x1xf32>
    %sub3A = vector.broadcast %div3A_8 : vector<256x1xf32> to vector<256x1024xf32>
    %sub3A_9 = arith.subf %get3A_1, %sub3A : vector<256x1024xf32>
    %mul3A = arith.mulf %sub3A_9, %sub3A_9 : vector<256x1024xf32>
    %reduce_sum3A_10 = arith.constant dense<0.000000e+00> : vector<256xf32>
    %reduce_sum3A_11 = vector.multi_reduction <add>, %mul3A, %reduce_sum3A_10 [1] : vector<256x1024xf32> to vector<256xf32>
    %broadcast_in_dim3A_12 = vector.shape_cast %reduce_sum3A_11 : vector<256xf32> to vector<256x1xf32>
    %div3A_13 = arith.constant 1.024000e+03 : f32
    %div3A_14 = vector.broadcast %div3A_13 : f32 to vector<256x1xf32>
    %div3A_15 = arith.divf %broadcast_in_dim3A_12, %div3A_14 : vector<256x1xf32>
    %add3A = arith.constant 9.99999974E-6 : f32
    %add3A_16 = vector.broadcast %add3A : f32 to vector<256x1xf32>
    %add3A_17 = arith.addf %div3A_15, %add3A_16 : vector<256x1xf32>
    %rsqrt3A = math.rsqrt %add3A_17 : vector<256x1xf32>
    %mul3A_18 = vector.broadcast %rsqrt3A : vector<256x1xf32> to vector<256x1024xf32>
    %mul3A_19 = arith.mulf %sub3A_9, %mul3A_18 : vector<256x1024xf32>
    %broadcast_in_dim3A_20 = vector.shape_cast %get3A_3 : vector<1024xf32> to vector<1x1024xf32>
    %mul3A_21 = vector.broadcast %broadcast_in_dim3A_20 : vector<1x1024xf32> to vector<256x1024xf32>
    %mul3A_22 = arith.mulf %mul3A_19, %mul3A_21 : vector<256x1024xf32>
    %broadcast_in_dim3A_23 = vector.shape_cast %get3A_5 : vector<1024xf32> to vector<1x1024xf32>
    %add3A_24 = vector.broadcast %broadcast_in_dim3A_23 : vector<1x1024xf32> to vector<256x1024xf32>
    %add3A_25 = arith.addf %mul3A_22, %add3A_24 : vector<256x1024xf32>
    %convert_element_type3A = arith.truncf %add3A_25 : vector<256x1024xf32> to vector<256x1024xbf16>
    %get3A_26 = arith.constant 0 : index
    %get3A_27 = arith.constant 0 : index
    %get3A_28 = vector.load %arg5[%get3A_26, %get3A_27] : memref<1024x1024xbf16, #tpu.memory_space<vmem>>, vector<1024x1024xbf16>
    %dot_general3A = arith.constant dense<0.000000e+00> : vector<256x1024xf32>
    %dot_general3A_29 = tpu.matmul %convert_element_type3A, %get3A_28, %dot_general3A {dimension_numbers = #tpu.dot_dimension_numbers<[1], [1], [0], [0], [0, 0, 1, 0], [], []>, transpose_lhs_hint = false} : vector<256x1024xbf16>, vector<1024x1024xbf16>, vector<256x1024xf32> -> vector<256x1024xf32>
    %get3A_30 = arith.constant 0 : index
    %get3A_31 = vector.load %arg6[%get3A_30] : memref<1024xf32, #tpu.memory_space<vmem>>, vector<1024xf32>
    %broadcast_in_dim3A_32 = vector.shape_cast %get3A_31 : vector<1024xf32> to vector<1x1024xf32>
    %add3A_33 = vector.broadcast %broadcast_in_dim3A_32 : vector<1x1024xf32> to vector<256x1024xf32>
    %add3A_34 = arith.addf %dot_general3A_29, %add3A_33 : vector<256x1024xf32>
    %eq3A = arith.constant 0 : i32
    %eq3A_35 = arith.cmpi eq, %arg0, %eq3A : i32
    %jit3A = arith.constant 0.180336878 : f32
    %jit3A_36 = arith.constant 1.000000e+00 : f32
    %select_n3A = arith.select %eq3A_35, %jit3A, %jit3A_36 : f32
    %mul3A_37 = vector.broadcast %select_n3A : f32 to vector<256x1024xf32>
    %mul3A_38 = arith.mulf %add3A_34, %mul3A_37 : vector<256x1024xf32>
    %convert_element_type3A_39 = arith.truncf %mul3A_38 : vector<256x1024xf32> to vector<256x1024xbf16>
    %swap3A = arith.constant 0 : index
    %swap3A_40 = arith.constant 0 : index
    %swap3A_41 = vector.load %arg7[%swap3A, %swap3A_40] : memref<256x1024xbf16, #tpu.memory_space<vmem>>, vector<256x1024xbf16>
    tpu.vector_store %arg7[%swap3A, %swap3A_40], %convert_element_type3A_39 {strides = array<i32>} : memref<256x1024xbf16, #tpu.memory_space<vmem>>, vector<256x1024xbf16>,
    return
  }
  func.func @transform_0(%arg0: i32, %arg1: i32) -> (i32, i32) {
    %c0_i32 = arith.constant 0 : i32
    %c0_i32_0 = arith.constant 0 : i32
    return %arg1, %c0_i32 : i32, i32
  }
  func.func @transform_1(%arg0: i32, %arg1: i32) -> i32 {
    %c0_i32 = arith.constant 0 : i32
    %c0_i32_0 = arith.constant 0 : i32
    return %c0_i32 : i32
  }
  func.func @transform_2(%arg0: i32, %arg1: i32) -> i32 {
    %c0_i32 = arith.constant 0 : i32
    %c0_i32_0 = arith.constant 0 : i32
    return %c0_i32 : i32
  }
  func.func @transform_3(%arg0: i32, %arg1: i32) -> (i32, i32) {
    %c0_i32 = arith.constant 0 : i32
    %c0_i32_0 = arith.constant 0 : i32
    return %arg0, %c0_i32 : i32, i32
  }
  func.func @transform_4(%arg0: i32, %arg1: i32) -> i32 {
    %c0_i32 = arith.constant 0 : i32
    return %arg0 : i32
  }
  func.func @transform_5(%arg0: i32, %arg1: i32) -> (i32, i32) {
    %c0_i32 = arith.constant 0 : i32
    return %arg1, %arg0 : i32, i32
  }
}

module attributes {stable_mosaic.version = 14 : i64} {
  func.func @_attn_kernel(%arg0: i32, %arg1: i32, %arg2: memref<256x512xbf16, #tpu.memory_space<vmem>>, %arg3: memref<2048x512xbf16, #tpu.memory_space<vmem>>, %arg4: memref<2048x512xbf16, #tpu.memory_space<vmem>>, %arg5: memref<256x512xbf16, #tpu.memory_space<vmem>>) attributes {dimension_semantics = [#tpu.dimension_semantics<arbitrary>, #tpu.dimension_semantics<arbitrary>], iteration_bounds = array<i64: 2, 8>, scalar_prefetch = 0 : i64, scratch_operands = 0 : i64, tpu.core_type = #tpu.core_type<tc>, window_params = [{transform_indices = @transform_0, window_bounds = array<i64: 256, 512>}, {transform_indices = @transform_1, window_bounds = array<i64: 2048, 512>}, {transform_indices = @transform_2, window_bounds = array<i64: 2048, 512>}, {transform_indices = @transform_3, window_bounds = array<i64: 256, 512>}]} {
    %get3A = arith.constant 0 : index
    %get3A_0 = arith.constant 0 : index
    %get3A_1 = vector.load %arg2[%get3A, %get3A_0] : memref<256x512xbf16, #tpu.memory_space<vmem>>, vector<256x64xbf16>
    %get3A_2 = arith.constant 0 : index
    %get3A_3 = arith.constant 0 : index
    %get3A_4 = vector.load %arg3[%get3A_2, %get3A_3] : memref<2048x512xbf16, #tpu.memory_space<vmem>>, vector<2048x64xbf16>
    %dot_general3A = arith.constant dense<0.000000e+00> : vector<256x2048xf32>
    %dot_general3A_5 = tpu.matmul %get3A_1, %get3A_4, %dot_general3A {dimension_numbers = #tpu.dot_dimension_numbers<[1], [1], [0], [0], [0, 0, 1, 0], [], []>, transpose_lhs_hint = false} : vector<256x64xbf16>, vector<2048x64xbf16>, vector<256x2048xf32> -> vector<256x2048xf32>
    %reduce_max3A = arith.constant dense<0xFF800000> : vector<256xf32>
    %reduce_max3A_6 = vector.multi_reduction <maximumf>, %dot_general3A_5, %reduce_max3A [1] : vector<256x2048xf32> to vector<256xf32>
    %broadcast_in_dim3A = vector.shape_cast %reduce_max3A_6 : vector<256xf32> to vector<256x1xf32>
    %sub3A = vector.broadcast %broadcast_in_dim3A : vector<256x1xf32> to vector<256x2048xf32>
    %sub3A_7 = arith.subf %dot_general3A_5, %sub3A : vector<256x2048xf32>
    %exp23A = math.exp2 %sub3A_7 : vector<256x2048xf32>
    %reduce_sum3A = arith.constant dense<0.000000e+00> : vector<256xf32>
    %reduce_sum3A_8 = vector.multi_reduction <add>, %exp23A, %reduce_sum3A [1] : vector<256x2048xf32> to vector<256xf32>
    %broadcast_in_dim3A_9 = vector.shape_cast %reduce_sum3A_8 : vector<256xf32> to vector<256x1xf32>
    %convert_element_type3A = arith.truncf %exp23A : vector<256x2048xf32> to vector<256x2048xbf16>
    %get3A_10 = arith.constant 0 : index
    %get3A_11 = arith.constant 0 : index
    %get3A_12 = vector.load %arg4[%get3A_10, %get3A_11] : memref<2048x512xbf16, #tpu.memory_space<vmem>>, vector<2048x64xbf16>
    %dot_general3A_13 = arith.constant dense<0.000000e+00> : vector<256x64xf32>
    %dot_general3A_14 = tpu.matmul %convert_element_type3A, %get3A_12, %dot_general3A_13 {dimension_numbers = #tpu.dot_dimension_numbers<[1], [0], [0], [1], [0, 0, 1, 1], [], []>, transpose_lhs_hint = false} : vector<256x2048xbf16>, vector<2048x64xbf16>, vector<256x64xf32> -> vector<256x64xf32>
    %div3A = vector.broadcast %broadcast_in_dim3A_9 : vector<256x1xf32> to vector<256x64xf32>
    %div3A_15 = arith.divf %dot_general3A_14, %div3A : vector<256x64xf32>
    %convert_element_type3A_16 = arith.truncf %div3A_15 : vector<256x64xf32> to vector<256x64xbf16>
    %swap3A = arith.constant 0 : index
    %swap3A_17 = arith.constant 0 : index
    %swap3A_18 = vector.load %arg5[%swap3A, %swap3A_17] : memref<256x512xbf16, #tpu.memory_space<vmem>>, vector<256x64xbf16>
    tpu.vector_store %arg5[%swap3A, %swap3A_17], %convert_element_type3A_16 {strides = array<i32>} : memref<256x512xbf16, #tpu.memory_space<vmem>>, vector<256x64xbf16>,
    %get3A_19 = arith.constant 0 : index
    %get3A_20 = arith.constant 64 : index
    %get3A_21 = vector.load %arg2[%get3A_19, %get3A_20] : memref<256x512xbf16, #tpu.memory_space<vmem>>, vector<256x64xbf16>
    %get3A_22 = arith.constant 0 : index
    %get3A_23 = arith.constant 64 : index
    %get3A_24 = vector.load %arg3[%get3A_22, %get3A_23] : memref<2048x512xbf16, #tpu.memory_space<vmem>>, vector<2048x64xbf16>
    %dot_general3A_25 = arith.constant dense<0.000000e+00> : vector<256x2048xf32>
    %dot_general3A_26 = tpu.matmul %get3A_21, %get3A_24, %dot_general3A_25 {dimension_numbers = #tpu.dot_dimension_numbers<[1], [1], [0], [0], [0, 0, 1, 0], [], []>, transpose_lhs_hint = false} : vector<256x64xbf16>, vector<2048x64xbf16>, vector<256x2048xf32> -> vector<256x2048xf32>
    %reduce_max3A_27 = arith.constant dense<0xFF800000> : vector<256xf32>
    %reduce_max3A_28 = vector.multi_reduction <maximumf>, %dot_general3A_26, %reduce_max3A_27 [1] : vector<256x2048xf32> to vector<256xf32>
    %broadcast_in_dim3A_29 = vector.shape_cast %reduce_max3A_28 : vector<256xf32> to vector<256x1xf32>
    %sub3A_30 = vector.broadcast %broadcast_in_dim3A_29 : vector<256x1xf32> to vector<256x2048xf32>
    %sub3A_31 = arith.subf %dot_general3A_26, %sub3A_30 : vector<256x2048xf32>
    %exp23A_32 = math.exp2 %sub3A_31 : vector<256x2048xf32>
    %reduce_sum3A_33 = arith.constant dense<0.000000e+00> : vector<256xf32>
    %reduce_sum3A_34 = vector.multi_reduction <add>, %exp23A_32, %reduce_sum3A_33 [1] : vector<256x2048xf32> to vector<256xf32>
    %broadcast_in_dim3A_35 = vector.shape_cast %reduce_sum3A_34 : vector<256xf32> to vector<256x1xf32>
    %convert_element_type3A_36 = arith.truncf %exp23A_32 : vector<256x2048xf32> to vector<256x2048xbf16>
    %get3A_37 = arith.constant 0 : index
    %get3A_38 = arith.constant 64 : index
    %get3A_39 = vector.load %arg4[%get3A_37, %get3A_38] : memref<2048x512xbf16, #tpu.memory_space<vmem>>, vector<2048x64xbf16>
    %dot_general3A_40 = arith.constant dense<0.000000e+00> : vector<256x64xf32>
    %dot_general3A_41 = tpu.matmul %convert_element_type3A_36, %get3A_39, %dot_general3A_40 {dimension_numbers = #tpu.dot_dimension_numbers<[1], [0], [0], [1], [0, 0, 1, 1], [], []>, transpose_lhs_hint = false} : vector<256x2048xbf16>, vector<2048x64xbf16>, vector<256x64xf32> -> vector<256x64xf32>
    %div3A_42 = vector.broadcast %broadcast_in_dim3A_35 : vector<256x1xf32> to vector<256x64xf32>
    %div3A_43 = arith.divf %dot_general3A_41, %div3A_42 : vector<256x64xf32>
    %convert_element_type3A_44 = arith.truncf %div3A_43 : vector<256x64xf32> to vector<256x64xbf16>
    %swap3A_45 = arith.constant 0 : index
    %swap3A_46 = arith.constant 64 : index
    %swap3A_47 = vector.load %arg5[%swap3A_45, %swap3A_46] : memref<256x512xbf16, #tpu.memory_space<vmem>>, vector<256x64xbf16>
    tpu.vector_store %arg5[%swap3A_45, %swap3A_46], %convert_element_type3A_44 {strides = array<i32>} : memref<256x512xbf16, #tpu.memory_space<vmem>>, vector<256x64xbf16>,
    %get3A_48 = arith.constant 0 : index
    %get3A_49 = arith.constant 128 : index
    %get3A_50 = vector.load %arg2[%get3A_48, %get3A_49] : memref<256x512xbf16, #tpu.memory_space<vmem>>, vector<256x64xbf16>
    %get3A_51 = arith.constant 0 : index
    %get3A_52 = arith.constant 128 : index
    %get3A_53 = vector.load %arg3[%get3A_51, %get3A_52] : memref<2048x512xbf16, #tpu.memory_space<vmem>>, vector<2048x64xbf16>
    %dot_general3A_54 = arith.constant dense<0.000000e+00> : vector<256x2048xf32>
    %dot_general3A_55 = tpu.matmul %get3A_50, %get3A_53, %dot_general3A_54 {dimension_numbers = #tpu.dot_dimension_numbers<[1], [1], [0], [0], [0, 0, 1, 0], [], []>, transpose_lhs_hint = false} : vector<256x64xbf16>, vector<2048x64xbf16>, vector<256x2048xf32> -> vector<256x2048xf32>
    %reduce_max3A_56 = arith.constant dense<0xFF800000> : vector<256xf32>
    %reduce_max3A_57 = vector.multi_reduction <maximumf>, %dot_general3A_55, %reduce_max3A_56 [1] : vector<256x2048xf32> to vector<256xf32>
    %broadcast_in_dim3A_58 = vector.shape_cast %reduce_max3A_57 : vector<256xf32> to vector<256x1xf32>
    %sub3A_59 = vector.broadcast %broadcast_in_dim3A_58 : vector<256x1xf32> to vector<256x2048xf32>
    %sub3A_60 = arith.subf %dot_general3A_55, %sub3A_59 : vector<256x2048xf32>
    %exp23A_61 = math.exp2 %sub3A_60 : vector<256x2048xf32>
    %reduce_sum3A_62 = arith.constant dense<0.000000e+00> : vector<256xf32>
    %reduce_sum3A_63 = vector.multi_reduction <add>, %exp23A_61, %reduce_sum3A_62 [1] : vector<256x2048xf32> to vector<256xf32>
    %broadcast_in_dim3A_64 = vector.shape_cast %reduce_sum3A_63 : vector<256xf32> to vector<256x1xf32>
    %convert_element_type3A_65 = arith.truncf %exp23A_61 : vector<256x2048xf32> to vector<256x2048xbf16>
    %get3A_66 = arith.constant 0 : index
    %get3A_67 = arith.constant 128 : index
    %get3A_68 = vector.load %arg4[%get3A_66, %get3A_67] : memref<2048x512xbf16, #tpu.memory_space<vmem>>, vector<2048x64xbf16>
    %dot_general3A_69 = arith.constant dense<0.000000e+00> : vector<256x64xf32>
    %dot_general3A_70 = tpu.matmul %convert_element_type3A_65, %get3A_68, %dot_general3A_69 {dimension_numbers = #tpu.dot_dimension_numbers<[1], [0], [0], [1], [0, 0, 1, 1], [], []>, transpose_lhs_hint = false} : vector<256x2048xbf16>, vector<2048x64xbf16>, vector<256x64xf32> -> vector<256x64xf32>
    %div3A_71 = vector.broadcast %broadcast_in_dim3A_64 : vector<256x1xf32> to vector<256x64xf32>
    %div3A_72 = arith.divf %dot_general3A_70, %div3A_71 : vector<256x64xf32>
    %convert_element_type3A_73 = arith.truncf %div3A_72 : vector<256x64xf32> to vector<256x64xbf16>
    %swap3A_74 = arith.constant 0 : index
    %swap3A_75 = arith.constant 128 : index
    %swap3A_76 = vector.load %arg5[%swap3A_74, %swap3A_75] : memref<256x512xbf16, #tpu.memory_space<vmem>>, vector<256x64xbf16>
    tpu.vector_store %arg5[%swap3A_74, %swap3A_75], %convert_element_type3A_73 {strides = array<i32>} : memref<256x512xbf16, #tpu.memory_space<vmem>>, vector<256x64xbf16>,
    %get3A_77 = arith.constant 0 : index
    %get3A_78 = arith.constant 192 : index
    %get3A_79 = vector.load %arg2[%get3A_77, %get3A_78] : memref<256x512xbf16, #tpu.memory_space<vmem>>, vector<256x64xbf16>
    %get3A_80 = arith.constant 0 : index
    %get3A_81 = arith.constant 192 : index
    %get3A_82 = vector.load %arg3[%get3A_80, %get3A_81] : memref<2048x512xbf16, #tpu.memory_space<vmem>>, vector<2048x64xbf16>
    %dot_general3A_83 = arith.constant dense<0.000000e+00> : vector<256x2048xf32>
    %dot_general3A_84 = tpu.matmul %get3A_79, %get3A_82, %dot_general3A_83 {dimension_numbers = #tpu.dot_dimension_numbers<[1], [1], [0], [0], [0, 0, 1, 0], [], []>, transpose_lhs_hint = false} : vector<256x64xbf16>, vector<2048x64xbf16>, vector<256x2048xf32> -> vector<256x2048xf32>
    %reduce_max3A_85 = arith.constant dense<0xFF800000> : vector<256xf32>
    %reduce_max3A_86 = vector.multi_reduction <maximumf>, %dot_general3A_84, %reduce_max3A_85 [1] : vector<256x2048xf32> to vector<256xf32>
    %broadcast_in_dim3A_87 = vector.shape_cast %reduce_max3A_86 : vector<256xf32> to vector<256x1xf32>
    %sub3A_88 = vector.broadcast %broadcast_in_dim3A_87 : vector<256x1xf32> to vector<256x2048xf32>
    %sub3A_89 = arith.subf %dot_general3A_84, %sub3A_88 : vector<256x2048xf32>
    %exp23A_90 = math.exp2 %sub3A_89 : vector<256x2048xf32>
    %reduce_sum3A_91 = arith.constant dense<0.000000e+00> : vector<256xf32>
    %reduce_sum3A_92 = vector.multi_reduction <add>, %exp23A_90, %reduce_sum3A_91 [1] : vector<256x2048xf32> to vector<256xf32>
    %broadcast_in_dim3A_93 = vector.shape_cast %reduce_sum3A_92 : vector<256xf32> to vector<256x1xf32>
    %convert_element_type3A_94 = arith.truncf %exp23A_90 : vector<256x2048xf32> to vector<256x2048xbf16>
    %get3A_95 = arith.constant 0 : index
    %get3A_96 = arith.constant 192 : index
    %get3A_97 = vector.load %arg4[%get3A_95, %get3A_96] : memref<2048x512xbf16, #tpu.memory_space<vmem>>, vector<2048x64xbf16>
    %dot_general3A_98 = arith.constant dense<0.000000e+00> : vector<256x64xf32>
    %dot_general3A_99 = tpu.matmul %convert_element_type3A_94, %get3A_97, %dot_general3A_98 {dimension_numbers = #tpu.dot_dimension_numbers<[1], [0], [0], [1], [0, 0, 1, 1], [], []>, transpose_lhs_hint = false} : vector<256x2048xbf16>, vector<2048x64xbf16>, vector<256x64xf32> -> vector<256x64xf32>
    %div3A_100 = vector.broadcast %broadcast_in_dim3A_93 : vector<256x1xf32> to vector<256x64xf32>
    %div3A_101 = arith.divf %dot_general3A_99, %div3A_100 : vector<256x64xf32>
    %convert_element_type3A_102 = arith.truncf %div3A_101 : vector<256x64xf32> to vector<256x64xbf16>
    %swap3A_103 = arith.constant 0 : index
    %swap3A_104 = arith.constant 192 : index
    %swap3A_105 = vector.load %arg5[%swap3A_103, %swap3A_104] : memref<256x512xbf16, #tpu.memory_space<vmem>>, vector<256x64xbf16>
    tpu.vector_store %arg5[%swap3A_103, %swap3A_104], %convert_element_type3A_102 {strides = array<i32>} : memref<256x512xbf16, #tpu.memory_space<vmem>>, vector<256x64xbf16>,
    %get3A_106 = arith.constant 0 : index
    %get3A_107 = arith.constant 256 : index
    %get3A_108 = vector.load %arg2[%get3A_106, %get3A_107] : memref<256x512xbf16, #tpu.memory_space<vmem>>, vector<256x64xbf16>
    %get3A_109 = arith.constant 0 : index
    %get3A_110 = arith.constant 256 : index
    %get3A_111 = vector.load %arg3[%get3A_109, %get3A_110] : memref<2048x512xbf16, #tpu.memory_space<vmem>>, vector<2048x64xbf16>
    %dot_general3A_112 = arith.constant dense<0.000000e+00> : vector<256x2048xf32>
    %dot_general3A_113 = tpu.matmul %get3A_108, %get3A_111, %dot_general3A_112 {dimension_numbers = #tpu.dot_dimension_numbers<[1], [1], [0], [0], [0, 0, 1, 0], [], []>, transpose_lhs_hint = false} : vector<256x64xbf16>, vector<2048x64xbf16>, vector<256x2048xf32> -> vector<256x2048xf32>
    %reduce_max3A_114 = arith.constant dense<0xFF800000> : vector<256xf32>
    %reduce_max3A_115 = vector.multi_reduction <maximumf>, %dot_general3A_113, %reduce_max3A_114 [1] : vector<256x2048xf32> to vector<256xf32>
    %broadcast_in_dim3A_116 = vector.shape_cast %reduce_max3A_115 : vector<256xf32> to vector<256x1xf32>
    %sub3A_117 = vector.broadcast %broadcast_in_dim3A_116 : vector<256x1xf32> to vector<256x2048xf32>
    %sub3A_118 = arith.subf %dot_general3A_113, %sub3A_117 : vector<256x2048xf32>
    %exp23A_119 = math.exp2 %sub3A_118 : vector<256x2048xf32>
    %reduce_sum3A_120 = arith.constant dense<0.000000e+00> : vector<256xf32>
    %reduce_sum3A_121 = vector.multi_reduction <add>, %exp23A_119, %reduce_sum3A_120 [1] : vector<256x2048xf32> to vector<256xf32>
    %broadcast_in_dim3A_122 = vector.shape_cast %reduce_sum3A_121 : vector<256xf32> to vector<256x1xf32>
    %convert_element_type3A_123 = arith.truncf %exp23A_119 : vector<256x2048xf32> to vector<256x2048xbf16>
    %get3A_124 = arith.constant 0 : index
    %get3A_125 = arith.constant 256 : index
    %get3A_126 = vector.load %arg4[%get3A_124, %get3A_125] : memref<2048x512xbf16, #tpu.memory_space<vmem>>, vector<2048x64xbf16>
    %dot_general3A_127 = arith.constant dense<0.000000e+00> : vector<256x64xf32>
    %dot_general3A_128 = tpu.matmul %convert_element_type3A_123, %get3A_126, %dot_general3A_127 {dimension_numbers = #tpu.dot_dimension_numbers<[1], [0], [0], [1], [0, 0, 1, 1], [], []>, transpose_lhs_hint = false} : vector<256x2048xbf16>, vector<2048x64xbf16>, vector<256x64xf32> -> vector<256x64xf32>
    %div3A_129 = vector.broadcast %broadcast_in_dim3A_122 : vector<256x1xf32> to vector<256x64xf32>
    %div3A_130 = arith.divf %dot_general3A_128, %div3A_129 : vector<256x64xf32>
    %convert_element_type3A_131 = arith.truncf %div3A_130 : vector<256x64xf32> to vector<256x64xbf16>
    %swap3A_132 = arith.constant 0 : index
    %swap3A_133 = arith.constant 256 : index
    %swap3A_134 = vector.load %arg5[%swap3A_132, %swap3A_133] : memref<256x512xbf16, #tpu.memory_space<vmem>>, vector<256x64xbf16>
    tpu.vector_store %arg5[%swap3A_132, %swap3A_133], %convert_element_type3A_131 {strides = array<i32>} : memref<256x512xbf16, #tpu.memory_space<vmem>>, vector<256x64xbf16>,
    %get3A_135 = arith.constant 0 : index
    %get3A_136 = arith.constant 320 : index
    %get3A_137 = vector.load %arg2[%get3A_135, %get3A_136] : memref<256x512xbf16, #tpu.memory_space<vmem>>, vector<256x64xbf16>
    %get3A_138 = arith.constant 0 : index
    %get3A_139 = arith.constant 320 : index
    %get3A_140 = vector.load %arg3[%get3A_138, %get3A_139] : memref<2048x512xbf16, #tpu.memory_space<vmem>>, vector<2048x64xbf16>
    %dot_general3A_141 = arith.constant dense<0.000000e+00> : vector<256x2048xf32>
    %dot_general3A_142 = tpu.matmul %get3A_137, %get3A_140, %dot_general3A_141 {dimension_numbers = #tpu.dot_dimension_numbers<[1], [1], [0], [0], [0, 0, 1, 0], [], []>, transpose_lhs_hint = false} : vector<256x64xbf16>, vector<2048x64xbf16>, vector<256x2048xf32> -> vector<256x2048xf32>
    %reduce_max3A_143 = arith.constant dense<0xFF800000> : vector<256xf32>
    %reduce_max3A_144 = vector.multi_reduction <maximumf>, %dot_general3A_142, %reduce_max3A_143 [1] : vector<256x2048xf32> to vector<256xf32>
    %broadcast_in_dim3A_145 = vector.shape_cast %reduce_max3A_144 : vector<256xf32> to vector<256x1xf32>
    %sub3A_146 = vector.broadcast %broadcast_in_dim3A_145 : vector<256x1xf32> to vector<256x2048xf32>
    %sub3A_147 = arith.subf %dot_general3A_142, %sub3A_146 : vector<256x2048xf32>
    %exp23A_148 = math.exp2 %sub3A_147 : vector<256x2048xf32>
    %reduce_sum3A_149 = arith.constant dense<0.000000e+00> : vector<256xf32>
    %reduce_sum3A_150 = vector.multi_reduction <add>, %exp23A_148, %reduce_sum3A_149 [1] : vector<256x2048xf32> to vector<256xf32>
    %broadcast_in_dim3A_151 = vector.shape_cast %reduce_sum3A_150 : vector<256xf32> to vector<256x1xf32>
    %convert_element_type3A_152 = arith.truncf %exp23A_148 : vector<256x2048xf32> to vector<256x2048xbf16>
    %get3A_153 = arith.constant 0 : index
    %get3A_154 = arith.constant 320 : index
    %get3A_155 = vector.load %arg4[%get3A_153, %get3A_154] : memref<2048x512xbf16, #tpu.memory_space<vmem>>, vector<2048x64xbf16>
    %dot_general3A_156 = arith.constant dense<0.000000e+00> : vector<256x64xf32>
    %dot_general3A_157 = tpu.matmul %convert_element_type3A_152, %get3A_155, %dot_general3A_156 {dimension_numbers = #tpu.dot_dimension_numbers<[1], [0], [0], [1], [0, 0, 1, 1], [], []>, transpose_lhs_hint = false} : vector<256x2048xbf16>, vector<2048x64xbf16>, vector<256x64xf32> -> vector<256x64xf32>
    %div3A_158 = vector.broadcast %broadcast_in_dim3A_151 : vector<256x1xf32> to vector<256x64xf32>
    %div3A_159 = arith.divf %dot_general3A_157, %div3A_158 : vector<256x64xf32>
    %convert_element_type3A_160 = arith.truncf %div3A_159 : vector<256x64xf32> to vector<256x64xbf16>
    %swap3A_161 = arith.constant 0 : index
    %swap3A_162 = arith.constant 320 : index
    %swap3A_163 = vector.load %arg5[%swap3A_161, %swap3A_162] : memref<256x512xbf16, #tpu.memory_space<vmem>>, vector<256x64xbf16>
    tpu.vector_store %arg5[%swap3A_161, %swap3A_162], %convert_element_type3A_160 {strides = array<i32>} : memref<256x512xbf16, #tpu.memory_space<vmem>>, vector<256x64xbf16>,
    %get3A_164 = arith.constant 0 : index
    %get3A_165 = arith.constant 384 : index
    %get3A_166 = vector.load %arg2[%get3A_164, %get3A_165] : memref<256x512xbf16, #tpu.memory_space<vmem>>, vector<256x64xbf16>
    %get3A_167 = arith.constant 0 : index
    %get3A_168 = arith.constant 384 : index
    %get3A_169 = vector.load %arg3[%get3A_167, %get3A_168] : memref<2048x512xbf16, #tpu.memory_space<vmem>>, vector<2048x64xbf16>
    %dot_general3A_170 = arith.constant dense<0.000000e+00> : vector<256x2048xf32>
    %dot_general3A_171 = tpu.matmul %get3A_166, %get3A_169, %dot_general3A_170 {dimension_numbers = #tpu.dot_dimension_numbers<[1], [1], [0], [0], [0, 0, 1, 0], [], []>, transpose_lhs_hint = false} : vector<256x64xbf16>, vector<2048x64xbf16>, vector<256x2048xf32> -> vector<256x2048xf32>
    %reduce_max3A_172 = arith.constant dense<0xFF800000> : vector<256xf32>
    %reduce_max3A_173 = vector.multi_reduction <maximumf>, %dot_general3A_171, %reduce_max3A_172 [1] : vector<256x2048xf32> to vector<256xf32>
    %broadcast_in_dim3A_174 = vector.shape_cast %reduce_max3A_173 : vector<256xf32> to vector<256x1xf32>
    %sub3A_175 = vector.broadcast %broadcast_in_dim3A_174 : vector<256x1xf32> to vector<256x2048xf32>
    %sub3A_176 = arith.subf %dot_general3A_171, %sub3A_175 : vector<256x2048xf32>
    %exp23A_177 = math.exp2 %sub3A_176 : vector<256x2048xf32>
    %reduce_sum3A_178 = arith.constant dense<0.000000e+00> : vector<256xf32>
    %reduce_sum3A_179 = vector.multi_reduction <add>, %exp23A_177, %reduce_sum3A_178 [1] : vector<256x2048xf32> to vector<256xf32>
    %broadcast_in_dim3A_180 = vector.shape_cast %reduce_sum3A_179 : vector<256xf32> to vector<256x1xf32>
    %convert_element_type3A_181 = arith.truncf %exp23A_177 : vector<256x2048xf32> to vector<256x2048xbf16>
    %get3A_182 = arith.constant 0 : index
    %get3A_183 = arith.constant 384 : index
    %get3A_184 = vector.load %arg4[%get3A_182, %get3A_183] : memref<2048x512xbf16, #tpu.memory_space<vmem>>, vector<2048x64xbf16>
    %dot_general3A_185 = arith.constant dense<0.000000e+00> : vector<256x64xf32>
    %dot_general3A_186 = tpu.matmul %convert_element_type3A_181, %get3A_184, %dot_general3A_185 {dimension_numbers = #tpu.dot_dimension_numbers<[1], [0], [0], [1], [0, 0, 1, 1], [], []>, transpose_lhs_hint = false} : vector<256x2048xbf16>, vector<2048x64xbf16>, vector<256x64xf32> -> vector<256x64xf32>
    %div3A_187 = vector.broadcast %broadcast_in_dim3A_180 : vector<256x1xf32> to vector<256x64xf32>
    %div3A_188 = arith.divf %dot_general3A_186, %div3A_187 : vector<256x64xf32>
    %convert_element_type3A_189 = arith.truncf %div3A_188 : vector<256x64xf32> to vector<256x64xbf16>
    %swap3A_190 = arith.constant 0 : index
    %swap3A_191 = arith.constant 384 : index
    %swap3A_192 = vector.load %arg5[%swap3A_190, %swap3A_191] : memref<256x512xbf16, #tpu.memory_space<vmem>>, vector<256x64xbf16>
    tpu.vector_store %arg5[%swap3A_190, %swap3A_191], %convert_element_type3A_189 {strides = array<i32>} : memref<256x512xbf16, #tpu.memory_space<vmem>>, vector<256x64xbf16>,
    %get3A_193 = arith.constant 0 : index
    %get3A_194 = arith.constant 448 : index
    %get3A_195 = vector.load %arg2[%get3A_193, %get3A_194] : memref<256x512xbf16, #tpu.memory_space<vmem>>, vector<256x64xbf16>
    %get3A_196 = arith.constant 0 : index
    %get3A_197 = arith.constant 448 : index
    %get3A_198 = vector.load %arg3[%get3A_196, %get3A_197] : memref<2048x512xbf16, #tpu.memory_space<vmem>>, vector<2048x64xbf16>
    %dot_general3A_199 = arith.constant dense<0.000000e+00> : vector<256x2048xf32>
    %dot_general3A_200 = tpu.matmul %get3A_195, %get3A_198, %dot_general3A_199 {dimension_numbers = #tpu.dot_dimension_numbers<[1], [1], [0], [0], [0, 0, 1, 0], [], []>, transpose_lhs_hint = false} : vector<256x64xbf16>, vector<2048x64xbf16>, vector<256x2048xf32> -> vector<256x2048xf32>
    %reduce_max3A_201 = arith.constant dense<0xFF800000> : vector<256xf32>
    %reduce_max3A_202 = vector.multi_reduction <maximumf>, %dot_general3A_200, %reduce_max3A_201 [1] : vector<256x2048xf32> to vector<256xf32>
    %broadcast_in_dim3A_203 = vector.shape_cast %reduce_max3A_202 : vector<256xf32> to vector<256x1xf32>
    %sub3A_204 = vector.broadcast %broadcast_in_dim3A_203 : vector<256x1xf32> to vector<256x2048xf32>
    %sub3A_205 = arith.subf %dot_general3A_200, %sub3A_204 : vector<256x2048xf32>
    %exp23A_206 = math.exp2 %sub3A_205 : vector<256x2048xf32>
    %reduce_sum3A_207 = arith.constant dense<0.000000e+00> : vector<256xf32>
    %reduce_sum3A_208 = vector.multi_reduction <add>, %exp23A_206, %reduce_sum3A_207 [1] : vector<256x2048xf32> to vector<256xf32>
    %broadcast_in_dim3A_209 = vector.shape_cast %reduce_sum3A_208 : vector<256xf32> to vector<256x1xf32>
    %convert_element_type3A_210 = arith.truncf %exp23A_206 : vector<256x2048xf32> to vector<256x2048xbf16>
    %get3A_211 = arith.constant 0 : index
    %get3A_212 = arith.constant 448 : index
    %get3A_213 = vector.load %arg4[%get3A_211, %get3A_212] : memref<2048x512xbf16, #tpu.memory_space<vmem>>, vector<2048x64xbf16>
    %dot_general3A_214 = arith.constant dense<0.000000e+00> : vector<256x64xf32>
    %dot_general3A_215 = tpu.matmul %convert_element_type3A_210, %get3A_213, %dot_general3A_214 {dimension_numbers = #tpu.dot_dimension_numbers<[1], [0], [0], [1], [0, 0, 1, 1], [], []>, transpose_lhs_hint = false} : vector<256x2048xbf16>, vector<2048x64xbf16>, vector<256x64xf32> -> vector<256x64xf32>
    %div3A_216 = vector.broadcast %broadcast_in_dim3A_209 : vector<256x1xf32> to vector<256x64xf32>
    %div3A_217 = arith.divf %dot_general3A_215, %div3A_216 : vector<256x64xf32>
    %convert_element_type3A_218 = arith.truncf %div3A_217 : vector<256x64xf32> to vector<256x64xbf16>
    %swap3A_219 = arith.constant 0 : index
    %swap3A_220 = arith.constant 448 : index
    %swap3A_221 = vector.load %arg5[%swap3A_219, %swap3A_220] : memref<256x512xbf16, #tpu.memory_space<vmem>>, vector<256x64xbf16>
    tpu.vector_store %arg5[%swap3A_219, %swap3A_220], %convert_element_type3A_218 {strides = array<i32>} : memref<256x512xbf16, #tpu.memory_space<vmem>>, vector<256x64xbf16>,
    return
  }
  func.func @transform_0(%arg0: i32, %arg1: i32) -> (i32, i32) {
    %c0_i32 = arith.constant 0 : i32
    return %arg1, %arg0 : i32, i32
  }
  func.func @transform_1(%arg0: i32, %arg1: i32) -> (i32, i32) {
    %add3A = arith.constant 2 : i32
    %add3A_0 = arith.addi %add3A, %arg0 : i32
    %c0_i32 = arith.constant 0 : i32
    %c0_i32_1 = arith.constant 0 : i32
    return %c0_i32, %add3A_0 : i32, i32
  }
  func.func @transform_2(%arg0: i32, %arg1: i32) -> (i32, i32) {
    %add3A = arith.constant 4 : i32
    %add3A_0 = arith.addi %add3A, %arg0 : i32
    %c0_i32 = arith.constant 0 : i32
    %c0_i32_1 = arith.constant 0 : i32
    return %c0_i32, %add3A_0 : i32, i32
  }
  func.func @transform_3(%arg0: i32, %arg1: i32) -> (i32, i32) {
    %c0_i32 = arith.constant 0 : i32
    return %arg1, %arg0 : i32, i32
  }
}

module attributes {stable_mosaic.version = 14 : i64} {
  func.func @_proj_router_kernel(%arg0: i32, %arg1: memref<256x1024xbf16, #tpu.memory_space<vmem>>, %arg2: memref<256x1024xf32, #tpu.memory_space<vmem>>, %arg3: memref<1024x1024xbf16, #tpu.memory_space<vmem>>, %arg4: memref<1024xf32, #tpu.memory_space<vmem>>, %arg5: memref<1024xf32, #tpu.memory_space<vmem>>, %arg6: memref<1024xf32, #tpu.memory_space<vmem>>, %arg7: memref<8x1024xf32, #tpu.memory_space<vmem>>, %arg8: memref<256x1024xf32, #tpu.memory_space<vmem>>, %arg9: memref<256x1024xf32, #tpu.memory_space<vmem>>, %arg10: memref<256x1xf32, #tpu.memory_space<vmem>>, %arg11: memref<256x1xi32, #tpu.memory_space<vmem>>) attributes {dimension_semantics = [#tpu.dimension_semantics<arbitrary>], iteration_bounds = array<i64: 8>, scalar_prefetch = 0 : i64, scratch_operands = 0 : i64, tpu.core_type = #tpu.core_type<tc>, window_params = [{transform_indices = @transform_0, window_bounds = array<i64: 256, 1024>}, {transform_indices = @transform_1, window_bounds = array<i64: 256, 1024>}, {pipeline_mode = #tpu.pipeline_mode<synchronous>, transform_indices = @transform_2, window_bounds = array<i64: 1024, 1024>}, {pipeline_mode = #tpu.pipeline_mode<synchronous>, transform_indices = @transform_3, window_bounds = array<i64: 1024>}, {pipeline_mode = #tpu.pipeline_mode<synchronous>, transform_indices = @transform_4, window_bounds = array<i64: 1024>}, {pipeline_mode = #tpu.pipeline_mode<synchronous>, transform_indices = @transform_5, window_bounds = array<i64: 1024>}, {pipeline_mode = #tpu.pipeline_mode<synchronous>, transform_indices = @transform_6, window_bounds = array<i64: 8, 1024>}, {transform_indices = @transform_7, window_bounds = array<i64: 256, 1024>}, {transform_indices = @transform_8, window_bounds = array<i64: 256, 1024>}, {transform_indices = @transform_9, window_bounds = array<i64: 256, 1>}, {transform_indices = @transform_10, window_bounds = array<i64: 256, 1>}]} {
    %get3A = arith.constant 0 : index
    %get3A_0 = arith.constant 0 : index
    %get3A_1 = vector.load %arg1[%get3A, %get3A_0] : memref<256x1024xbf16, #tpu.memory_space<vmem>>, vector<256x1024xbf16>
    %get3A_2 = arith.constant 0 : index
    %get3A_3 = arith.constant 0 : index
    %get3A_4 = vector.load %arg3[%get3A_2, %get3A_3] : memref<1024x1024xbf16, #tpu.memory_space<vmem>>, vector<1024x1024xbf16>
    %dot_general3A = arith.constant dense<0.000000e+00> : vector<256x1024xf32>
    %dot_general3A_5 = tpu.matmul %get3A_1, %get3A_4, %dot_general3A {dimension_numbers = #tpu.dot_dimension_numbers<[1], [1], [0], [0], [0, 0, 1, 0], [], []>, transpose_lhs_hint = false} : vector<256x1024xbf16>, vector<1024x1024xbf16>, vector<256x1024xf32> -> vector<256x1024xf32>
    %get3A_6 = arith.constant 0 : index
    %get3A_7 = vector.load %arg4[%get3A_6] : memref<1024xf32, #tpu.memory_space<vmem>>, vector<1024xf32>
    %broadcast_in_dim3A = vector.shape_cast %get3A_7 : vector<1024xf32> to vector<1x1024xf32>
    %add3A = vector.broadcast %broadcast_in_dim3A : vector<1x1024xf32> to vector<256x1024xf32>
    %add3A_8 = arith.addf %dot_general3A_5, %add3A : vector<256x1024xf32>
    %get3A_9 = arith.constant 0 : index
    %get3A_10 = arith.constant 0 : index
    %get3A_11 = vector.load %arg2[%get3A_9, %get3A_10] : memref<256x1024xf32, #tpu.memory_space<vmem>>, vector<256x1024xf32>
    %add3A_12 = arith.addf %get3A_11, %add3A_8 : vector<256x1024xf32>
    %swap3A = arith.constant 0 : index
    %swap3A_13 = arith.constant 0 : index
    %swap3A_14 = vector.load %arg8[%swap3A, %swap3A_13] : memref<256x1024xf32, #tpu.memory_space<vmem>>, vector<256x1024xf32>
    tpu.vector_store %arg8[%swap3A, %swap3A_13], %add3A_12 {strides = array<i32>} : memref<256x1024xf32, #tpu.memory_space<vmem>>, vector<256x1024xf32>,
    %get3A_15 = arith.constant 0 : index
    %get3A_16 = vector.load %arg5[%get3A_15] : memref<1024xf32, #tpu.memory_space<vmem>>, vector<1024xf32>
    %get3A_17 = arith.constant 0 : index
    %get3A_18 = vector.load %arg6[%get3A_17] : memref<1024xf32, #tpu.memory_space<vmem>>, vector<1024xf32>
    %reduce_sum3A = arith.constant dense<0.000000e+00> : vector<256xf32>
    %reduce_sum3A_19 = vector.multi_reduction <add>, %add3A_12, %reduce_sum3A [1] : vector<256x1024xf32> to vector<256xf32>
    %broadcast_in_dim3A_20 = vector.shape_cast %reduce_sum3A_19 : vector<256xf32> to vector<256x1xf32>
    %div3A = arith.constant 1.024000e+03 : f32
    %div3A_21 = vector.broadcast %div3A : f32 to vector<256x1xf32>
    %div3A_22 = arith.divf %broadcast_in_dim3A_20, %div3A_21 : vector<256x1xf32>
    %sub3A = vector.broadcast %div3A_22 : vector<256x1xf32> to vector<256x1024xf32>
    %sub3A_23 = arith.subf %add3A_12, %sub3A : vector<256x1024xf32>
    %mul3A = arith.mulf %sub3A_23, %sub3A_23 : vector<256x1024xf32>
    %reduce_sum3A_24 = arith.constant dense<0.000000e+00> : vector<256xf32>
    %reduce_sum3A_25 = vector.multi_reduction <add>, %mul3A, %reduce_sum3A_24 [1] : vector<256x1024xf32> to vector<256xf32>
    %broadcast_in_dim3A_26 = vector.shape_cast %reduce_sum3A_25 : vector<256xf32> to vector<256x1xf32>
    %div3A_27 = arith.constant 1.024000e+03 : f32
    %div3A_28 = vector.broadcast %div3A_27 : f32 to vector<256x1xf32>
    %div3A_29 = arith.divf %broadcast_in_dim3A_26, %div3A_28 : vector<256x1xf32>
    %add3A_30 = arith.constant 9.99999974E-6 : f32
    %add3A_31 = vector.broadcast %add3A_30 : f32 to vector<256x1xf32>
    %add3A_32 = arith.addf %div3A_29, %add3A_31 : vector<256x1xf32>
    %rsqrt3A = math.rsqrt %add3A_32 : vector<256x1xf32>
    %mul3A_33 = vector.broadcast %rsqrt3A : vector<256x1xf32> to vector<256x1024xf32>
    %mul3A_34 = arith.mulf %sub3A_23, %mul3A_33 : vector<256x1024xf32>
    %broadcast_in_dim3A_35 = vector.shape_cast %get3A_16 : vector<1024xf32> to vector<1x1024xf32>
    %mul3A_36 = vector.broadcast %broadcast_in_dim3A_35 : vector<1x1024xf32> to vector<256x1024xf32>
    %mul3A_37 = arith.mulf %mul3A_34, %mul3A_36 : vector<256x1024xf32>
    %broadcast_in_dim3A_38 = vector.shape_cast %get3A_18 : vector<1024xf32> to vector<1x1024xf32>
    %add3A_39 = vector.broadcast %broadcast_in_dim3A_38 : vector<1x1024xf32> to vector<256x1024xf32>
    %add3A_40 = arith.addf %mul3A_37, %add3A_39 : vector<256x1024xf32>
    %swap3A_41 = arith.constant 0 : index
    %swap3A_42 = arith.constant 0 : index
    %swap3A_43 = vector.load %arg9[%swap3A_41, %swap3A_42] : memref<256x1024xf32, #tpu.memory_space<vmem>>, vector<256x1024xf32>
    tpu.vector_store %arg9[%swap3A_41, %swap3A_42], %add3A_40 {strides = array<i32>} : memref<256x1024xf32, #tpu.memory_space<vmem>>, vector<256x1024xf32>,
    %get3A_44 = arith.constant 0 : index
    %get3A_45 = arith.constant 0 : index
    %get3A_46 = vector.load %arg7[%get3A_44, %get3A_45] : memref<8x1024xf32, #tpu.memory_space<vmem>>, vector<8x1024xf32>
    %dot_general3A_47 = arith.constant dense<0.000000e+00> : vector<256x8xf32>
    %dot_general3A_48 = tpu.matmul %add3A_40, %get3A_46, %dot_general3A_47 {dimension_numbers = #tpu.dot_dimension_numbers<[1], [1], [0], [0], [0, 0, 1, 0], [], []>, transpose_lhs_hint = false} : vector<256x1024xf32>, vector<8x1024xf32>, vector<256x8xf32> -> vector<256x8xf32>
    %reduce_max3A = arith.constant dense<0xFF800000> : vector<256xf32>
    %reduce_max3A_49 = vector.multi_reduction <maximumf>, %dot_general3A_48, %reduce_max3A [1] : vector<256x8xf32> to vector<256xf32>
    %broadcast_in_dim3A_50 = vector.shape_cast %reduce_max3A_49 : vector<256xf32> to vector<256x1xf32>
    %sub3A_51 = vector.broadcast %broadcast_in_dim3A_50 : vector<256x1xf32> to vector<256x8xf32>
    %sub3A_52 = arith.subf %dot_general3A_48, %sub3A_51 : vector<256x8xf32>
    %exp3A = math.exp %sub3A_52 : vector<256x8xf32>
    %reduce_sum3A_53 = arith.constant dense<0.000000e+00> : vector<256xf32>
    %reduce_sum3A_54 = vector.multi_reduction <add>, %exp3A, %reduce_sum3A_53 [1] : vector<256x8xf32> to vector<256xf32>
    %broadcast_in_dim3A_55 = vector.shape_cast %reduce_sum3A_54 : vector<256xf32> to vector<256x1xf32>
    %div3A_56 = vector.broadcast %broadcast_in_dim3A_55 : vector<256x1xf32> to vector<256x8xf32>
    %div3A_57 = arith.divf %exp3A, %div3A_56 : vector<256x8xf32>
    %reduce_max3A_58 = arith.constant dense<0xFF800000> : vector<256xf32>
    %reduce_max3A_59 = vector.multi_reduction <maximumf>, %div3A_57, %reduce_max3A_58 [1] : vector<256x8xf32> to vector<256xf32>
    %broadcast_in_dim3A_60 = vector.shape_cast %reduce_max3A_59 : vector<256xf32> to vector<256x1xf32>
    %swap3A_61 = arith.constant 0 : index
    %swap3A_62 = arith.constant 0 : index
    %swap3A_63 = vector.load %arg10[%swap3A_61, %swap3A_62] : memref<256x1xf32, #tpu.memory_space<vmem>>, vector<256x1xf32>
    tpu.vector_store %arg10[%swap3A_61, %swap3A_62], %broadcast_in_dim3A_60 {strides = array<i32>} : memref<256x1xf32, #tpu.memory_space<vmem>>, vector<256x1xf32>,
    %iota3A = tpu.iota {dimensions = array<i32: 1>} : vector<256x8xi32>
    %ge3A = vector.broadcast %broadcast_in_dim3A_60 : vector<256x1xf32> to vector<256x8xf32>
    %ge3A_64 = arith.cmpf oge, %div3A_57, %ge3A : vector<256x8xf32>
    %jit3A = arith.constant 8 : i32
    %broadcast_in_dim3A_65 = vector.broadcast %jit3A : i32 to vector<256x8xi32>
    %select_n3A = arith.select %ge3A_64, %iota3A, %broadcast_in_dim3A_65 : vector<256x8xi1>, vector<256x8xi32>
    %reduce_min3A = arith.constant dense<2147483647> : vector<256xi32>
    %reduce_min3A_66 = vector.multi_reduction <minsi>, %select_n3A, %reduce_min3A [1] : vector<256x8xi32> to vector<256xi32>
    %broadcast_in_dim3A_67 = vector.shape_cast %reduce_min3A_66 : vector<256xi32> to vector<256x1xi32>
    %swap3A_68 = arith.constant 0 : index
    %swap3A_69 = arith.constant 0 : index
    %swap3A_70 = vector.load %arg11[%swap3A_68, %swap3A_69] : memref<256x1xi32, #tpu.memory_space<vmem>>, vector<256x1xi32>
    tpu.vector_store %arg11[%swap3A_68, %swap3A_69], %broadcast_in_dim3A_67 {strides = array<i32>} : memref<256x1xi32, #tpu.memory_space<vmem>>, vector<256x1xi32>,
    return
  }
  func.func @transform_0(%arg0: i32) -> (i32, i32) {
    %c0_i32 = arith.constant 0 : i32
    %c0_i32_0 = arith.constant 0 : i32
    return %arg0, %c0_i32 : i32, i32
  }
  func.func @transform_1(%arg0: i32) -> (i32, i32) {
    %c0_i32 = arith.constant 0 : i32
    %c0_i32_0 = arith.constant 0 : i32
    return %arg0, %c0_i32 : i32, i32
  }
  func.func @transform_2(%arg0: i32) -> (i32, i32) {
    %c0_i32 = arith.constant 0 : i32
    %c0_i32_0 = arith.constant 0 : i32
    %c0_i32_1 = arith.constant 0 : i32
    return %c0_i32, %c0_i32_0 : i32, i32
  }
  func.func @transform_3(%arg0: i32) -> i32 {
    %c0_i32 = arith.constant 0 : i32
    %c0_i32_0 = arith.constant 0 : i32
    return %c0_i32 : i32
  }
  func.func @transform_4(%arg0: i32) -> i32 {
    %c0_i32 = arith.constant 0 : i32
    %c0_i32_0 = arith.constant 0 : i32
    return %c0_i32 : i32
  }
  func.func @transform_5(%arg0: i32) -> i32 {
    %c0_i32 = arith.constant 0 : i32
    %c0_i32_0 = arith.constant 0 : i32
    return %c0_i32 : i32
  }
  func.func @transform_6(%arg0: i32) -> (i32, i32) {
    %c0_i32 = arith.constant 0 : i32
    %c0_i32_0 = arith.constant 0 : i32
    %c0_i32_1 = arith.constant 0 : i32
    return %c0_i32, %c0_i32_0 : i32, i32
  }
  func.func @transform_7(%arg0: i32) -> (i32, i32) {
    %c0_i32 = arith.constant 0 : i32
    %c0_i32_0 = arith.constant 0 : i32
    return %arg0, %c0_i32 : i32, i32
  }
  func.func @transform_8(%arg0: i32) -> (i32, i32) {
    %c0_i32 = arith.constant 0 : i32
    %c0_i32_0 = arith.constant 0 : i32
    return %arg0, %c0_i32 : i32, i32
  }
  func.func @transform_9(%arg0: i32) -> (i32, i32) {
    %c0_i32 = arith.constant 0 : i32
    %c0_i32_0 = arith.constant 0 : i32
    return %arg0, %c0_i32 : i32, i32
  }
  func.func @transform_10(%arg0: i32) -> (i32, i32) {
    %c0_i32 = arith.constant 0 : i32
    %c0_i32_0 = arith.constant 0 : i32
    return %arg0, %c0_i32 : i32, i32
  }
}

module attributes {stable_mosaic.version = 14 : i64} {
  func.func @_rank_kernel(%arg0: i32, %arg1: memref<256x1xi32, #tpu.memory_space<vmem>>, %arg2: memref<1x8xf32, #tpu.memory_space<vmem>>, %arg3: memref<256x1xi32, #tpu.memory_space<vmem>>, %arg4: memref<1x8xf32, #tpu.memory_space<vmem>>) attributes {dimension_semantics = [#tpu.dimension_semantics<arbitrary>], iteration_bounds = array<i64: 8>, scalar_prefetch = 0 : i64, scratch_operands = 1 : i64, tpu.core_type = #tpu.core_type<tc>, window_params = [{transform_indices = @transform_0, window_bounds = array<i64: 256, 1>}, {pipeline_mode = #tpu.pipeline_mode<synchronous>, transform_indices = @transform_1, window_bounds = array<i64: 1, 8>}, {transform_indices = @transform_2, window_bounds = array<i64: 256, 1>}]} {
    %eq3A = arith.constant 0 : i32
    %eq3A_0 = arith.cmpi eq, %arg0, %eq3A : i32
    %convert_element_type3A = arith.extui %eq3A_0 : i1 to i32
    %cond3A = arith.constant 0 : i32
    %cond3A_1 = arith.cmpi ne, %convert_element_type3A, %cond3A : i32
    scf.if %cond3A_1 {
      %broadcast_in_dim3A_47 = arith.constant 0.000000e+00 : f32
      %broadcast_in_dim3A_48 = vector.broadcast %broadcast_in_dim3A_47 : f32 to vector<1x8xf32>
      %swap3A_49 = arith.constant 0 : index
      %swap3A_50 = arith.constant 0 : index
      %swap3A_51 = vector.load %arg4[%swap3A_49, %swap3A_50] : memref<1x8xf32, #tpu.memory_space<vmem>>, vector<1x8xf32>
      tpu.vector_store %arg4[%swap3A_49, %swap3A_50], %broadcast_in_dim3A_48 {strides = array<i32>} : memref<1x8xf32, #tpu.memory_space<vmem>>, vector<1x8xf32>,
    } else {
    }
    %get3A = arith.constant 0 : index
    %get3A_2 = arith.constant 0 : index
    %get3A_3 = vector.load %arg1[%get3A, %get3A_2] : memref<256x1xi32, #tpu.memory_space<vmem>>, vector<256x1xi32>
    %iota3A = tpu.iota {dimensions = array<i32: 1>} : vector<256x8xi32>
    %eq3A_4 = vector.broadcast %get3A_3 : vector<256x1xi32> to vector<256x8xi32>
    %eq3A_5 = arith.cmpi eq, %eq3A_4, %iota3A : vector<256x8xi32>
    %convert_element_type3A_6 = arith.extui %eq3A_5 : vector<256x8xi1> to vector<256x8xi32>
    %convert_element_type3A_7 = arith.sitofp %convert_element_type3A_6 : vector<256x8xi32> to vector<256x8xf32>
    %convert_element_type3A_8 = arith.truncf %convert_element_type3A_7 : vector<256x8xf32> to vector<256x8xbf16>
    %iota3A_9 = tpu.iota {dimensions = array<i32: 0>} : vector<256x256xi32>
    %iota3A_10 = tpu.iota {dimensions = array<i32: 1>} : vector<256x256xi32>
    %ge3A = arith.cmpi sge, %iota3A_9, %iota3A_10 : vector<256x256xi32>
    %convert_element_type3A_11 = arith.extui %ge3A : vector<256x256xi1> to vector<256x256xi32>
    %convert_element_type3A_12 = arith.sitofp %convert_element_type3A_11 : vector<256x256xi32> to vector<256x256xf32>
    %convert_element_type3A_13 = arith.truncf %convert_element_type3A_12 : vector<256x256xf32> to vector<256x256xbf16>
    %dot_general3A = arith.constant dense<0.000000e+00> : vector<256x8xf32>
    %dot_general3A_14 = tpu.matmul %convert_element_type3A_13, %convert_element_type3A_8, %dot_general3A {dimension_numbers = #tpu.dot_dimension_numbers<[1], [0], [0], [1], [0, 0, 1, 1], [], []>, transpose_lhs_hint = false} : vector<256x256xbf16>, vector<256x8xbf16>, vector<256x8xf32> -> vector<256x8xf32>
    %convert_element_type3A_15 = arith.extui %eq3A_5 : vector<256x8xi1> to vector<256x8xi32>
    %convert_element_type3A_16 = arith.sitofp %convert_element_type3A_15 : vector<256x8xi32> to vector<256x8xf32>
    %mul3A = arith.mulf %dot_general3A_14, %convert_element_type3A_16 : vector<256x8xf32>
    %reduce_sum3A = arith.constant dense<0.000000e+00> : vector<256xf32>
    %reduce_sum3A_17 = vector.multi_reduction <add>, %mul3A, %reduce_sum3A [1] : vector<256x8xf32> to vector<256xf32>
    %broadcast_in_dim3A = vector.shape_cast %reduce_sum3A_17 : vector<256xf32> to vector<256x1xf32>
    %get3A_18 = arith.constant 0 : index
    %get3A_19 = arith.constant 0 : index
    %get3A_20 = vector.load %arg4[%get3A_18, %get3A_19] : memref<1x8xf32, #tpu.memory_space<vmem>>, vector<1x8xf32>
    %mul3A_21 = vector.broadcast %get3A_20 : vector<1x8xf32> to vector<256x8xf32>
    %mul3A_22 = arith.mulf %mul3A_21, %convert_element_type3A_16 : vector<256x8xf32>
    %reduce_sum3A_23 = arith.constant dense<0.000000e+00> : vector<256xf32>
    %reduce_sum3A_24 = vector.multi_reduction <add>, %mul3A_22, %reduce_sum3A_23 [1] : vector<256x8xf32> to vector<256xf32>
    %broadcast_in_dim3A_25 = vector.shape_cast %reduce_sum3A_24 : vector<256xf32> to vector<256x1xf32>
    %get3A_26 = arith.constant 0 : index
    %get3A_27 = arith.constant 0 : index
    %get3A_28 = vector.load %arg2[%get3A_26, %get3A_27] : memref<1x8xf32, #tpu.memory_space<vmem>>, vector<1x8xf32>
    %mul3A_29 = vector.broadcast %get3A_28 : vector<1x8xf32> to vector<256x8xf32>
    %mul3A_30 = arith.mulf %mul3A_29, %convert_element_type3A_16 : vector<256x8xf32>
    %reduce_sum3A_31 = arith.constant dense<0.000000e+00> : vector<256xf32>
    %reduce_sum3A_32 = vector.multi_reduction <add>, %mul3A_30, %reduce_sum3A_31 [1] : vector<256x8xf32> to vector<256xf32>
    %broadcast_in_dim3A_33 = vector.shape_cast %reduce_sum3A_32 : vector<256xf32> to vector<256x1xf32>
    %add3A = arith.addf %broadcast_in_dim3A_33, %broadcast_in_dim3A_25 : vector<256x1xf32>
    %add3A_34 = arith.addf %add3A, %broadcast_in_dim3A : vector<256x1xf32>
    %sub3A = arith.constant 1.000000e+00 : f32
    %sub3A_35 = vector.broadcast %sub3A : f32 to vector<256x1xf32>
    %sub3A_36 = arith.subf %add3A_34, %sub3A_35 : vector<256x1xf32>
    %convert_element_type3A_37 = arith.fptosi %sub3A_36 : vector<256x1xf32> to vector<256x1xi32>
    %swap3A = arith.constant 0 : index
    %swap3A_38 = arith.constant 0 : index
    %swap3A_39 = vector.load %arg3[%swap3A, %swap3A_38] : memref<256x1xi32, #tpu.memory_space<vmem>>, vector<256x1xi32>
    tpu.vector_store %arg3[%swap3A, %swap3A_38], %convert_element_type3A_37 {strides = array<i32>} : memref<256x1xi32, #tpu.memory_space<vmem>>, vector<256x1xi32>,
    %get3A_40 = arith.constant 0 : index
    %get3A_41 = arith.constant 0 : index
    %get3A_42 = vector.load %arg4[%get3A_40, %get3A_41] : memref<1x8xf32, #tpu.memory_space<vmem>>, vector<1x8xf32>
    %slice3A = vector.extract_strided_slice %dot_general3A_14 {offsets = [255, 0], sizes = [1, 8], strides = [1, 1]} : vector<256x8xf32> to vector<1x8xf32>
    %add3A_43 = arith.addf %get3A_42, %slice3A : vector<1x8xf32>
    %swap3A_44 = arith.constant 0 : index
    %swap3A_45 = arith.constant 0 : index
    %swap3A_46 = vector.load %arg4[%swap3A_44, %swap3A_45] : memref<1x8xf32, #tpu.memory_space<vmem>>, vector<1x8xf32>
    tpu.vector_store %arg4[%swap3A_44, %swap3A_45], %add3A_43 {strides = array<i32>} : memref<1x8xf32, #tpu.memory_space<vmem>>, vector<1x8xf32>,
    return
  }
  func.func @transform_0(%arg0: i32) -> (i32, i32) {
    %c0_i32 = arith.constant 0 : i32
    %c0_i32_0 = arith.constant 0 : i32
    return %arg0, %c0_i32 : i32, i32
  }
  func.func @transform_1(%arg0: i32) -> (i32, i32) {
    %c0_i32 = arith.constant 0 : i32
    %c0_i32_0 = arith.constant 0 : i32
    %c0_i32_1 = arith.constant 0 : i32
    return %c0_i32, %c0_i32_0 : i32, i32
  }
  func.func @transform_2(%arg0: i32) -> (i32, i32) {
    %c0_i32 = arith.constant 0 : i32
    %c0_i32_0 = arith.constant 0 : i32
    return %arg0, %c0_i32 : i32, i32
  }
}

module attributes {stable_mosaic.version = 14 : i64} {
  func.func @_ffn_kernel(%arg0: i32, %arg1: i32, %arg2: memref<15xi32, #tpu.memory_space<smem>>, %arg3: memref<15xi32, #tpu.memory_space<smem>>, %arg4: memref<15xi32, #tpu.memory_space<smem>>, %arg5: memref<15xi32, #tpu.memory_space<smem>>, %arg6: memref<15xi32, #tpu.memory_space<smem>>, %arg7: memref<256x1024xf32, #tpu.memory_space<vmem>>, %arg8: memref<1x2048x1024xbf16, #tpu.memory_space<vmem>>, %arg9: memref<1x2048x1024xbf16, #tpu.memory_space<vmem>>, %arg10: memref<1x1024x2048xbf16, #tpu.memory_space<vmem>>, %arg11: memref<256x1024xf32, #tpu.memory_space<vmem>>) attributes {dimension_semantics = [#tpu.dimension_semantics<arbitrary>, #tpu.dimension_semantics<arbitrary>], iteration_bounds = array<i64: 15, 1>, scalar_prefetch = 5 : i64, scratch_operands = 0 : i64, tpu.core_type = #tpu.core_type<tc>, window_params = [{transform_indices = @transform_0, window_bounds = array<i64: 256, 1024>}, {transform_indices = @transform_1, window_bounds = array<i64: 1, 2048, 1024>}, {transform_indices = @transform_2, window_bounds = array<i64: 1, 2048, 1024>}, {transform_indices = @transform_3, window_bounds = array<i64: 1, 1024, 2048>}, {transform_indices = @transform_4, window_bounds = array<i64: 256, 1024>}]} {
    %get3A = arith.index_cast %arg0 : i32 to index
    %get3A_0 = memref.load %arg6[%get3A] : memref<15xi32, #tpu.memory_space<smem>>
    %eq3A = arith.constant 1 : i32
    %eq3A_1 = arith.cmpi eq, %get3A_0, %eq3A : i32
    %eq3A_2 = arith.constant 0 : i32
    %eq3A_3 = arith.cmpi eq, %arg1, %eq3A_2 : i32
    %and3A = arith.andi %eq3A_1, %eq3A_3 : i1
    %convert_element_type3A = arith.extui %and3A : i1 to i32
    %cond3A = arith.constant 0 : i32
    %cond3A_4 = arith.cmpi ne, %convert_element_type3A, %cond3A : i32
    scf.if %cond3A_4 {
      %broadcast_in_dim3A = arith.constant 0.000000e+00 : f32
      %broadcast_in_dim3A_12 = vector.broadcast %broadcast_in_dim3A : f32 to vector<256x1024xf32>
      %swap3A = arith.constant 0 : index
      %swap3A_13 = arith.constant 0 : index
      %swap3A_14 = vector.load %arg11[%swap3A, %swap3A_13] : memref<256x1024xf32, #tpu.memory_space<vmem>>, vector<256x1024xf32>
      tpu.vector_store %arg11[%swap3A, %swap3A_13], %broadcast_in_dim3A_12 {strides = array<i32>} : memref<256x1024xf32, #tpu.memory_space<vmem>>, vector<256x1024xf32>,
    } else {
    }
    %get3A_5 = arith.index_cast %arg0 : i32 to index
    %get3A_6 = memref.load %arg4[%get3A_5] : memref<15xi32, #tpu.memory_space<smem>>
    %get3A_7 = arith.index_cast %arg0 : i32 to index
    %get3A_8 = memref.load %arg5[%get3A_7] : memref<15xi32, #tpu.memory_space<smem>>
    %gt3A = arith.cmpi sgt, %get3A_8, %get3A_6 : i32
    %convert_element_type3A_9 = arith.extui %gt3A : i1 to i32
    %cond3A_10 = arith.constant 0 : i32
    %cond3A_11 = arith.cmpi ne, %convert_element_type3A_9, %cond3A_10 : i32
    scf.if %cond3A_11 {
      %get3A_12 = arith.constant 0 : index
      %get3A_13 = arith.constant 0 : index
      %get3A_14 = vector.load %arg7[%get3A_12, %get3A_13] : memref<256x1024xf32, #tpu.memory_space<vmem>>, vector<256x1024xf32>
      %convert_element_type3A_15 = arith.truncf %get3A_14 : vector<256x1024xf32> to vector<256x1024xbf16>
      %get3A_16 = arith.constant 0 : index
      %get3A_17 = arith.constant 0 : index
      %get3A_18 = arith.constant 0 : index
      %get3A_19 = vector.load %arg8[%get3A_16, %get3A_17, %get3A_18] : memref<1x2048x1024xbf16, #tpu.memory_space<vmem>>, vector<1x2048x1024xbf16>
      %get3A_20 = vector.shape_cast %get3A_19 : vector<1x2048x1024xbf16> to vector<2048x1024xbf16>
      %dot_general3A = arith.constant dense<0.000000e+00> : vector<256x2048xf32>
      %dot_general3A_21 = tpu.matmul %convert_element_type3A_15, %get3A_20, %dot_general3A {dimension_numbers = #tpu.dot_dimension_numbers<[1], [1], [0], [0], [0, 0, 1, 0], [], []>, transpose_lhs_hint = false} : vector<256x1024xbf16>, vector<2048x1024xbf16>, vector<256x2048xf32> -> vector<256x2048xf32>
      %get3A_22 = arith.constant 0 : index
      %get3A_23 = arith.constant 0 : index
      %get3A_24 = arith.constant 0 : index
      %get3A_25 = vector.load %arg9[%get3A_22, %get3A_23, %get3A_24] : memref<1x2048x1024xbf16, #tpu.memory_space<vmem>>, vector<1x2048x1024xbf16>
      %get3A_26 = vector.shape_cast %get3A_25 : vector<1x2048x1024xbf16> to vector<2048x1024xbf16>
      %dot_general3A_27 = arith.constant dense<0.000000e+00> : vector<256x2048xf32>
      %dot_general3A_28 = tpu.matmul %convert_element_type3A_15, %get3A_26, %dot_general3A_27 {dimension_numbers = #tpu.dot_dimension_numbers<[1], [1], [0], [0], [0, 0, 1, 0], [], []>, transpose_lhs_hint = false} : vector<256x1024xbf16>, vector<2048x1024xbf16>, vector<256x2048xf32> -> vector<256x2048xf32>
      %logistic3A = arith.negf %dot_general3A_21 : vector<256x2048xf32>
      %logistic3A_29 = math.exp %logistic3A : vector<256x2048xf32>
      %logistic3A_30 = arith.constant 1.000000e+00 : f32
      %logistic3A_31 = vector.broadcast %logistic3A_30 : f32 to vector<256x2048xf32>
      %logistic3A_32 = arith.addf %logistic3A_31, %logistic3A_29 : vector<256x2048xf32>
      %logistic3A_33 = arith.divf %logistic3A_31, %logistic3A_32 : vector<256x2048xf32>
      %mul3A = arith.mulf %dot_general3A_21, %logistic3A_33 : vector<256x2048xf32>
      %mul3A_34 = arith.mulf %mul3A, %dot_general3A_28 : vector<256x2048xf32>
      %convert_element_type3A_35 = arith.truncf %mul3A_34 : vector<256x2048xf32> to vector<256x2048xbf16>
      %get3A_36 = arith.constant 0 : index
      %get3A_37 = arith.constant 0 : index
      %get3A_38 = arith.constant 0 : index
      %get3A_39 = vector.load %arg10[%get3A_36, %get3A_37, %get3A_38] : memref<1x1024x2048xbf16, #tpu.memory_space<vmem>>, vector<1x1024x2048xbf16>
      %get3A_40 = vector.shape_cast %get3A_39 : vector<1x1024x2048xbf16> to vector<1024x2048xbf16>
      %dot_general3A_41 = arith.constant dense<0.000000e+00> : vector<256x1024xf32>
      %dot_general3A_42 = tpu.matmul %convert_element_type3A_35, %get3A_40, %dot_general3A_41 {dimension_numbers = #tpu.dot_dimension_numbers<[1], [1], [0], [0], [0, 0, 1, 0], [], []>, transpose_lhs_hint = false} : vector<256x2048xbf16>, vector<1024x2048xbf16>, vector<256x1024xf32> -> vector<256x1024xf32>
      %iota3A = tpu.iota {dimensions = array<i32: 0>} : vector<256x1xi32>
      %ge3A = vector.broadcast %get3A_6 : i32 to vector<256x1xi32>
      %ge3A_43 = arith.cmpi sge, %iota3A, %ge3A : vector<256x1xi32>
      %lt3A = vector.broadcast %get3A_8 : i32 to vector<256x1xi32>
      %lt3A_44 = arith.cmpi slt, %iota3A, %lt3A : vector<256x1xi32>
      %and3A_45 = arith.andi %ge3A_43, %lt3A_44 : vector<256x1xi1>
      %jit3A = arith.constant 1.000000e+00 : f32
      %jit3A_46 = arith.constant 0.000000e+00 : f32
      %broadcast_in_dim3A = vector.broadcast %jit3A : f32 to vector<256x1xf32>
      %broadcast_in_dim3A_47 = vector.broadcast %jit3A_46 : f32 to vector<256x1xf32>
      %select_n3A = arith.select %and3A_45, %broadcast_in_dim3A, %broadcast_in_dim3A_47 : vector<256x1xi1>, vector<256x1xf32>
      %get3A_48 = arith.constant 0 : index
      %get3A_49 = arith.constant 0 : index
      %get3A_50 = vector.load %arg11[%get3A_48, %get3A_49] : memref<256x1024xf32, #tpu.memory_space<vmem>>, vector<256x1024xf32>
      %mul3A_51 = vector.broadcast %select_n3A : vector<256x1xf32> to vector<256x1024xf32>
      %mul3A_52 = arith.mulf %mul3A_51, %dot_general3A_42 : vector<256x1024xf32>
      %add3A = arith.addf %get3A_50, %mul3A_52 : vector<256x1024xf32>
      %swap3A = arith.constant 0 : index
      %swap3A_53 = arith.constant 0 : index
      %swap3A_54 = vector.load %arg11[%swap3A, %swap3A_53] : memref<256x1024xf32, #tpu.memory_space<vmem>>, vector<256x1024xf32>
      tpu.vector_store %arg11[%swap3A, %swap3A_53], %add3A {strides = array<i32>} : memref<256x1024xf32, #tpu.memory_space<vmem>>, vector<256x1024xf32>,
    } else {
    }
    return
  }
  func.func @transform_0(%arg0: i32, %arg1: i32, %arg2: memref<15xi32, #tpu.memory_space<smem>>, %arg3: memref<15xi32, #tpu.memory_space<smem>>, %arg4: memref<15xi32, #tpu.memory_space<smem>>, %arg5: memref<15xi32, #tpu.memory_space<smem>>, %arg6: memref<15xi32, #tpu.memory_space<smem>>) -> (i32, i32) {
    %get3A = arith.index_cast %arg0 : i32 to index
    %get3A_0 = memref.load %arg2[%get3A] : memref<15xi32, #tpu.memory_space<smem>>
    %c0_i32 = arith.constant 0 : i32
    %c0_i32_1 = arith.constant 0 : i32
    return %get3A_0, %c0_i32 : i32, i32
  }
  func.func @transform_1(%arg0: i32, %arg1: i32, %arg2: memref<15xi32, #tpu.memory_space<smem>>, %arg3: memref<15xi32, #tpu.memory_space<smem>>, %arg4: memref<15xi32, #tpu.memory_space<smem>>, %arg5: memref<15xi32, #tpu.memory_space<smem>>, %arg6: memref<15xi32, #tpu.memory_space<smem>>) -> (i32, i32, i32) {
    %get3A = arith.index_cast %arg0 : i32 to index
    %get3A_0 = memref.load %arg3[%get3A] : memref<15xi32, #tpu.memory_space<smem>>
    %c0_i32 = arith.constant 0 : i32
    %c0_i32_1 = arith.constant 0 : i32
    return %get3A_0, %arg1, %c0_i32 : i32, i32, i32
  }
  func.func @transform_2(%arg0: i32, %arg1: i32, %arg2: memref<15xi32, #tpu.memory_space<smem>>, %arg3: memref<15xi32, #tpu.memory_space<smem>>, %arg4: memref<15xi32, #tpu.memory_space<smem>>, %arg5: memref<15xi32, #tpu.memory_space<smem>>, %arg6: memref<15xi32, #tpu.memory_space<smem>>) -> (i32, i32, i32) {
    %get3A = arith.index_cast %arg0 : i32 to index
    %get3A_0 = memref.load %arg3[%get3A] : memref<15xi32, #tpu.memory_space<smem>>
    %add3A = arith.constant 1 : i32
    %add3A_1 = arith.addi %add3A, %arg1 : i32
    %c0_i32 = arith.constant 0 : i32
    %c0_i32_2 = arith.constant 0 : i32
    return %get3A_0, %add3A_1, %c0_i32 : i32, i32, i32
  }
  func.func @transform_3(%arg0: i32, %arg1: i32, %arg2: memref<15xi32, #tpu.memory_space<smem>>, %arg3: memref<15xi32, #tpu.memory_space<smem>>, %arg4: memref<15xi32, #tpu.memory_space<smem>>, %arg5: memref<15xi32, #tpu.memory_space<smem>>, %arg6: memref<15xi32, #tpu.memory_space<smem>>) -> (i32, i32, i32) {
    %get3A = arith.index_cast %arg0 : i32 to index
    %get3A_0 = memref.load %arg3[%get3A] : memref<15xi32, #tpu.memory_space<smem>>
    %c0_i32 = arith.constant 0 : i32
    %c0_i32_1 = arith.constant 0 : i32
    return %get3A_0, %c0_i32, %arg1 : i32, i32, i32
  }
  func.func @transform_4(%arg0: i32, %arg1: i32, %arg2: memref<15xi32, #tpu.memory_space<smem>>, %arg3: memref<15xi32, #tpu.memory_space<smem>>, %arg4: memref<15xi32, #tpu.memory_space<smem>>, %arg5: memref<15xi32, #tpu.memory_space<smem>>, %arg6: memref<15xi32, #tpu.memory_space<smem>>) -> (i32, i32) {
    %get3A = arith.index_cast %arg0 : i32 to index
    %get3A_0 = memref.load %arg2[%get3A] : memref<15xi32, #tpu.memory_space<smem>>
    %c0_i32 = arith.constant 0 : i32
    %c0_i32_1 = arith.constant 0 : i32
    return %get3A_0, %c0_i32 : i32, i32
  }
}

</mosaic_0001>

<sc_bundles>
// kernel: gather_offload_async_start
scs
__scs_entry_jumppad:
0x0: {  	(pc) =	sbr.rel $0x88, $3  }
0x1: {  	(tag) =	ssettag $0x0;
	lr =	simm.s32 $0x1  }
0x2: {  	[smem:$0x3F95] =	sst lr;
	_ =	strace $0xD0000000  }
0x3: {  	_ = 	snop  }
0x4: {  	_ = 	snop  }
0x5: {  	_ = 	snop  }
0x6: {  	_ = 	snop  }
0x7: {  	_ = 	snop  }
__scs_overlays_trampoline_lowered:
0x8: {  	[smem:$0x3FA4] =	sst s0  }
0x9: {  	[smem:$0x3FA5] =	sst s1  }
0xa: {  	[smem:$0x3FA6] =	sst s2  }
0xb: {  	[smem:$0x3FA7] =	sst s3  }
0xc: {  	[smem:$0x3FA8] =	sst s4  }
0xd: {  	[smem:$0x3FA9] =	sst s5  }
0xe: {  	[smem:$0x3FAA] =	sst s6  }
0xf: {  	[smem:$0x3FAB] =	sst s7  }
0x10: {  	[smem:$0x3FAC] =	sst s8  }
0x11: {  	[smem:$0x3FAD] =	sst s9;
	s0 =	simm.s32 @!p0 $0x0  }
0x12: {  	s1 =	sld [smem:$0x3F93];
	s0 =	simm.s32 @p0 $0x1  }
0x13: {  	[smem:$0x3FAE] =	sst s0;
	s0 =	simm.s32 @!p1 $0x0  }
0x14: {  	s2 =	sld [smem:$0x3F92];
	s0 =	simm.s32 @p1 $0x1  }
0x15: {  	[smem:$0x3FAF] =	sst s0;
	s0 =	simm.s32 @!p2 $0x0  }
0x16: {  	s3 =	sld [smem:$0x3FDB];
	s0 =	simm.s32 @p2 $0x1  }
0x17: {  	s4 =	simm.s32 $0x1BF5;
	[smem:$0x3FB1] =	sst s0  }
0x18: {  	s0 =	sld [smem:$0x3F94];
	_ =	swait.ge [sflag:s4], $0x0  }
0x19: {  	s7 =	sld [smem:$0x3F95]  }
0x1a: {  	s8 =	sadd.s32 $0xFFFFE003, lr  }
0x1b: {  	s9 =	sadd.s32 $0xFFFFFEF7, lr;
	s5 =	simm.s32 $0xFFFFFFFF;
	p2 =	slt.u32 s8, $0xFFFFF086  }
0x1c: {  	p1 =	slt.u32 s9, $0xF7A;
	s5 =	simm.s32 @!p2 $0x0  }
0x1d: {  	s5 =	simm.s32 @p1 $0x1;
	p0 =	seq.s32 s7, s2  }
0x1e: {  	s7 =	smul.u32 @!p0 $0xF7A, s2;
	p2 =	seq.s32 @!p0 s5, $0x0  }
0x1f: {  	s9 =	smul.u32 $0xF7A, s1;
	s8 =	simm.s32 @!p0 $0x1BF5;
	p2 =	por !p2, p0  }
0x20: {  	[sflag:s8] =	ssyncset.s32 @!p0 $0xFFFFF086;
	s6 =	sadd.s32 @!p0 s3, s7;
	s7 =	simm.s32 @!p0 $0x108  }
0x21: {  	s3 =	sadd.s32 s3, s9;
	s6 =	sadd.s32 @!p0 $0x88, s6;
	s7 =	simm.s32 @p2 $0x1082  }
0x22: {  	[simem:s7], [sflag:s8] =	dma.local @!p0 [hbm:s6], $0xF7A  }
0x23: {  	s9 =	sor.u32 $0xD0000000, s2;
	s6 =	simm.s32 $0x108;
	_ =	swait.ge @!p0 [sflag:s8], $0x0  }
0x24: {  	s3 =	sadd.s32 $0x88, s3;
	s6 =	simm.s32 @!p1 $0x1082;
	[sflag:s4] =	ssyncset.s32 $0xFFFFF086  }
0x25: {  	[simem:s6], [sflag:s4] =	dma.local [hbm:s3], $0xF7A  }
0x26: {  	[smem:$0x3F95] =	sst s1;
	(tag) =	ssettag s2;
	_ =	strace s9  }
0x27: {  	s1 =	sld [smem:$0x3FA5]  }
0x28: {  	s2 =	sld [smem:$0x3FA6]  }
0x29: {  	s4 =	sld [smem:$0x3FA8]  }
0x2a: {  	p0 =	seq.s32 s5, $0x0;
	s5 =	sld [smem:$0x3FA9]  }
0x2b: {  	s6 =	sld [smem:$0x3FAA]  }
0x2c: {  	s7 =	sld [smem:$0x3FAB]  }
0x2d: {  	s3 =	simm.s32 $0x108;
	s8 =	sld [smem:$0x3FAC]  }
0x2e: {  	s3 =	simm.s32 @!p0 $0x1082;
	s9 =	sld [smem:$0x3FAD]  }
0x2f: {  	lr =	sadd.s32 s0, s3;
	s0 =	sld [smem:$0x3FA4]  }
0x30: {  	s3 =	sld [smem:$0x3FA7]  }
0x31: {  	[smem:$0x3FB0] =	sst s10  }
0x32: {  	s10 =	sld [smem:$0x3FAE];
	_ =	sdelay $0x3  }
0x33: {  	p0 =	seq.s32 s10, $0x1;
	s10 =	sld [smem:$0x3FB0];
	_ =	sdelay $0x3  }
0x34: {  	[smem:$0x3FB0] =	sst s10  }
0x35: {  	s10 =	sld [smem:$0x3FAF];
	_ =	sdelay $0x3  }
0x36: {  	p1 =	seq.s32 s10, $0x1;
	s10 =	sld [smem:$0x3FB0];
	_ =	sdelay $0x3  }
0x37: {  	[smem:$0x3FB0] =	sst s10  }
0x38: {  	s10 =	sld [smem:$0x3FB1]  }
0x39: {  	_ = 	snop;
	(pc) =	sbr.ind lr, $3  }
0x3a: {  	_ = 	snop  }
0x3b: {  	_ = 	snop  }
0x3c: {  	p2 =	seq.s32 s10, $0x1;
	s10 =	sld [smem:$0x3FB0]  }
0x3d: {  	_ =	shalt  }
0x3e: {  	_ =	shalt  }
0x3f: {  	_ =	shalt  }
0x40: {  	_ =	shalt  }
0x41: {  	_ =	shalt  }
0x42: {  	_ =	shalt  }
0x43: {  	_ =	shalt  }
0x44: {  	_ =	shalt  }
0x45: {  	_ =	shalt  }
0x46: {  	_ =	shalt  }
0x47: {  	_ =	shalt  }
0x48: {  	_ =	shalt  }
0x49: {  	_ =	shalt  }
0x4a: {  	_ =	shalt  }
0x4b: {  	_ =	shalt  }
0x4c: {  	_ =	shalt  }
0x4d: {  	_ =	shalt  }
0x4e: {  	_ =	shalt  }
0x4f: {  	_ =	shalt  }
0x50: {  	_ =	shalt  }
0x51: {  	_ =	shalt  }
0x52: {  	_ =	shalt  }
0x53: {  	_ =	shalt  }
0x54: {  	_ =	shalt  }
0x55: {  	_ =	shalt  }
0x56: {  	_ =	shalt  }
0x57: {  	_ =	shalt  }
0x58: {  	_ =	shalt  }
0x59: {  	_ =	shalt  }
0x5a: {  	_ =	shalt  }
0x5b: {  	_ =	shalt  }
0x5c: {  	_ =	shalt  }
0x5d: {  	_ =	shalt  }
0x5e: {  	_ =	shalt  }
0x5f: {  	_ =	shalt  }
0x60: {  	_ =	shalt  }
0x61: {  	_ =	shalt  }
0x62: {  	_ =	shalt  }
0x63: {  	_ =	shalt  }
0x64: {  	_ =	shalt  }
0x65: {  	_ =	shalt  }
0x66: {  	_ =	shalt  }
0x67: {  	_ =	shalt  }
0x68: {  	_ =	shalt  }
0x69: {  	_ =	shalt  }
0x6a: {  	_ =	shalt  }
0x6b: {  	_ =	shalt  }
0x6c: {  	_ =	shalt  }
0x6d: {  	_ =	shalt  }
0x6e: {  	_ =	shalt  }
0x6f: {  	_ =	shalt  }
0x70: {  	_ =	shalt  }
0x71: {  	_ =	shalt  }
0x72: {  	_ =	shalt  }
0x73: {  	_ =	shalt  }
0x74: {  	_ =	shalt  }
0x75: {  	_ =	shalt  }
0x76: {  	_ =	shalt  }
0x77: {  	_ =	shalt  }
0x78: {  	_ =	shalt  }
0x79: {  	_ =	shalt  }
0x7a: {  	_ =	shalt  }
0x7b: {  	_ =	shalt  }
0x7c: {  	_ =	shalt  }
0x7d: {  	_ =	shalt  }
0x7e: {  	_ =	shalt  }
0x7f: {  	_ =	shalt  }
0x80: {  	_ =	shalt  }
0x81: {  	_ =	shalt  }
0x82: {  	_ =	shalt  }
0x83: {  	_ =	shalt  }
0x84: {  	_ =	shalt  }
0x85: {  	_ =	shalt  }
0x86: {  	_ =	shalt  }
0x87: {  	_ =	shalt  }
.Lfunc_end0:
.L_simem_size_0:
called_computation_lowered:
.L_overlay_start_0:
0x88: {  	s2 =	sld [smem:$0x3FD9]  }
0x89: {  	s3 =	sld [smem:$0x3FFE];
	_ =	sdelay $0x1  }
0x8a: {  	s1 =	srdreg.scid  }
0x8b: {  	s0 =	sand.u32 $0x1, s1  }
0x8c: {  	s17 =	sshll.u32 s0, $0xA;
	s2 =	sadd.s32 s3, s2  }
0x8d: {  	s2 =	sadd.s32 s2, s17  }
0x8e: {  	[smem:$0x3FBC] =	sst s2  }
0x8f: {  	_ = 	snop  }
0x90: {  	s2 =	sld [smem:$0x3FD0];
	(tm) =	ssettm $0x1  }
0x91: {  	s18 =	sld [smem:$0x3FFB];
	_ =	sdelay $0x3  }
0x92: {  	_ =	strace s18  }
0x93: {  	s3 =	sld [smem:$0x3FFC];
	_ =	sdelay $0x3  }
0x94: {  	_ =	strace s3  }
0x95: {  	s3 =	sld [smem:$0x3FFD];
	_ =	sdelay $0x3  }
0x96: {  	_ =	strace s3  }
0x97: {  	_ =	strace $0x8FFFFFFF  }
0x98: {  	s19 =	sld [smem:$0x3FDB];
	_ =	sdelay $0x1  }
0x99: {  	s4 =	simm.s32 $_scs_section_size  }
0x9a: {  	s5 =	simm.s32 $_size__tile_overlayer_lowered;
	s6 =	simm.s32 $_tile_overlayer_lowered  }
0x9b: {  	s22 =	simm.s32 $0x1BFF;
	s21 =	sshll.u32 s6, $0x1;
	s3 =	sadd.s32 s4, s19  }
0x9c: {  	s7 =	simm.s32 $0x0;
	s20 =	sshll.u32 s5, $0x1;
	s5 =	sadd.s32 s21, s3  }
0x9d: {  	[timem:s7], [sflag:s22] =	dma.local [hbm:s5], s20  }
0x9e: {  	_ =	swait.ge [sflag:s22], s20  }
0x9f: {  	s4 =	ssub.s32 $0x0, s20;
	[sflag:s22] =	ssyncset.done $0x0  }
0xa0: {  	[sflag:s22] =	ssyncadd.s32 s4;
	_ =	sdelay $0x1  }
0xa1: {  	s23 =	simm.s32 $0x1B8B  }
0xa2: {  	_ =	swait.ge [sflag:s23], $0x1  }
0xa3: {  	[sflag:s23] =	ssyncset.done $0x0  }
0xa4: {  	s25 =	simm.s32 $0x1B8E;
	s24 =	sld [smem:$0x3FFE];
	[sflag:s23] =	ssyncadd.s32 $0xFFFFFFFF  }
0xa5: {  	s26 =	simm.s32 $execute0_lowered;
	[smem:$0x3FD2] =	sst s25  }
0xa6: {  	s5 =	sshll.u32 s26, $0x1;
	_ =	strace $0x80000049;
	[dreg:$0x1] =	wrdreg $0xFFFFFFFF  }
0xa7: {  	s28 =	simm.s32 $_size_execute0_lowered;
	s3 =	sadd.s32 s3, s5;
	[dreg:$0x0] =	wrdreg $0x0  }
0xa8: {  	s5 =	sshll.u32 s28, $0x1;
	[dreg:$0x2] =	wrdreg s3  }
0xa9: {  	[dreg:$0x3] =	wrdreg s5  }
0xaa: {  	[dreg:$0x4] =	wrdreg $0xC0  }
0xab: {  	_ =	task [dreg:s7], $0x5FFFF  }
0xac: {  	[dreg:$0x1] =	wrdreg $0xFFFFFFFF  }
0xad: {  	[dreg:$0x0] =	wrdreg $0x60  }
0xae: {  	[dreg:$0x2] =	wrdreg s2  }
0xaf: {  	[dreg:$0x3] =	wrdreg s24  }
0xb0: {  	[dreg:$0x4] =	wrdreg $0x9  }
0xb1: {  	_ =	task.clear_ibuf [dreg:s7], $0x5FFFF;
	_ =	strace $0x90000049  }
0xb2: {  	s29 =	simm.s32 $0x9;
	_ =	strace $0x8000004B  }
0xb3: {  	_ =	swait.ge [sflag:s29], $0x1  }
0xb4: {  	[sflag:s29] =	ssyncadd.s32 $0xFFFFFFFF  }
0xb5: {  	_ =	strace $0x9000004B  }
0xb6: {  	_ =	sfence  }
0xb7: {  	s30 =	sld [smem:$0x0];
	_ =	sdelay $0x2  }
0xb8: {  	s31 =	sshll.u32 s1, $0xD;
	s1 =	sshrl.u32 s1, $0x2  }
0xb9: {  	s3 =	sand.u32 $0x4000, s31;
	s1 =	sadd.s32 s1, s30  }
0xba: {  	s0 =	sor.u32 s3, s0;
	s1 =	sshll.u32 s1, $0x11  }
0xbb: {  	s0 =	sor.u32 s1, s0  }
0xbc: {  	s0 =	sadd.s32 $0x8F2B, s0  }
0xbd: {  	[sflag:s0] =	ssyncadd.remote.s32 $0x1  }
0xbe: {  	_ =	sfence.sel $0xFFFF  }
0xbf: {  	[dreg:$0x0] =	wrdreg $0xFFFFFFFF;
	(pc) =	sbr.abs _section_cstart, $3  }
0xc0: {  	[dreg:$0x1] =	wrdreg $0xFFFFFFFF  }
0xc1: {  	_ =	task.clear_ibuf [dreg:s7], $0x2FFFF;
	_ =	strace $0x9FFFFFFF  }
0xc2: {  	(tm) =	ssettm $0x7FFFFFFF  }
0xc3: {  	_ =	shalt  }
tec
execute0_lowered:
.L_overlay_start_1:
0x0: {  	(tag) =	ssettag $0x1  }
0x1: {  	s2 =	rddreg [dreg:$0x0]  }
0x2: {  	s7 =	rddreg [dreg:$0x1]  }
0x3: {  	s0 =	rddreg [dreg:$0x2]  }
0x4: {  	s1 =	srdreg.scid;
	_ =	strace $0x8000004A;
	s4 =	simm.s32 $0x1  }
0x5: {  	s9 =	simm.s32 $0x3;
	s11 =	simm.s32 $0x0;
	s5 =	sshll.u32 s1, $0x4  }
.Ltmp0:
0x6: {  	s1 =	stileid.u32;
	s5 =	sand.u32 $0x10, s5;
	(pc) =	sbr.rel .LBB2_1-.Ltmp0, $4  }
0x7: {  	p0 =	por $0x0, $0x0;
	s3 =	sadd.s32 $0x390600, s7;
	s6 =	sor.u32 s1, s5  }
0x8: {  	[sflag:s4] =	ssyncpa.u1 $0x0;
	s5 =	simm.s32 $0x2;
	s6 =	sshll.u32 s6, $0x6  }
0x9: {  	s7 =	sadd.s32 $0x50400, s7;
	[sflag:s5] =	ssyncpa.u1 $0x0;
	s8 =	sadd.s32 $0x40, s6  }
0xa: {  	vm0 =	vmmov $0xff;
	vm1 =	vcmask $0x3F20;
	[sflag:s9] =	ssyncpa.u1 $0x0;
	s10 =	smov.u32 s6;
	s9 =	simm.s32 $0x0  }
.LBB2_9:
0xb: {  	p1 =	slt.u32 s9, $0x2;
	s11 =	sadd.s32 $0x20, s10  }
0xc: {  	s13 =	smov.u32 s6;
	s9 =	sadd.s32 $0x1, s9;
	p2 =	slt.s32 s11, s8  }
0xd: {  	s13 =	smov.u32 @p2 s11;
	p2 =	sne.s32 s9, $0x4  }
.Ltmp1:
0xe: {  	_ = 	snop;
	(pc) =	sbr.rel @!p2 .LBB2_10-.Ltmp1, $4  }
0xf: {  	s12 =	simm.s32 @!p1 $0x3  }
0x10: {  	_ =	swait.ge @!p1 [sflag:s12], $0x8000  }
0x11: {  	p0 =	por !p0, !p0;
	[sflag:s12] =	ssyncset.done @!p1 $0x0  }
0x12: {  	s11 =	smov.u32 s10;
	s10 =	smov.u32 s13;
	[sflag:s12] =	ssyncadd.s32 @!p1 $0xFFFF8000  }
.LBB2_1:
0x13: {  	p1 =	sgt.u32 s9, $0x1  }
0x14: {  	s12 =	sshll.u32 @!p1 s9, $0x5;
	s13 =	sshrl.u32 @!p1 s10, $0x3  }
0x15: {  	s14 =	sand.u32 @!p1 $0x7, s10;
	s12 =	sxor.u32 @!p1 $0x20, s12;
	s13 =	sadd.s32 @!p1 s3, s13  }
0x16: {  	[tilespmem:s12], [sflag:$0x2] =	stream.linear.gather @!p1 [hbm4b:s13+s14], $0x20, $0x38;
	[tilespmem:$0x10040] =	vst v63  }
0x17: {  	p1 =	seq.s32 s9, $0x0  }
0x18: {  	p2 =	seq.s32 @!p1 s9, $0x3  }
0x19: {  	p1 =	por p1, p2  }
.Ltmp2:
0x1a: {  	_ = 	snop;
	(pc) =	sbr.rel @p1 .LBB2_9-.Ltmp2, $1  }
0x1b: {  	_ =	sdelay $0x3  }
0x1c: {  	s12 =	simm.s32 $0x1  }
0x1d: {  	_ =	swait.ge [sflag:s5], $0x20;
	s13 =	sand.u32 $0x1, s9;
	s12 =	simm.s32 @!p0 $0x0  }
0x1e: {  	s15 =	simm.s32 $0x0;
	p2 =	por $0x1, $0x1;
	s12 =	sshll.u32 s12, $0x11  }
0x1f: {  	[sflag:s5] =	ssyncset.done $0x0;
	s13 =	sshll.u32 s13, $0x5;
	s14 =	sshrl.u32 s12, $0x2  }
0x20: {  	[sflag:s5] =	ssyncadd.s32 $0xFFFFFFE0;
	s12 =	sor.u32 $0x40, s14;
	s14 =	sadd.s32 $0x40, s14  }
.LBB2_3:
0x21: {  	s16 =	sshll.u32 s15, $0x4  }
0x22: {  	s16 =	sand.u32 $0x3FFFFFF0, s16  }
0x23: {  	s16 =	sadd.s32 s16, s13  }
0x24: {  	v0 =	vld.msk [tilespmem:s16+$0x0 ss:$0x1], $0xffff;
	_ =	sdelay $0x4  }
0x25: {  	vm2 =	vgt.s32 v0, $0x0  }
0x26: {  	v0 =	vnsel vm2, $0x0, v0  }
0x27: {  	v0 =	vmin.u32 v0, $0x7FF  }
0x28: {  	v1 =	vshll.u32 v0, $0x7;
	v0 =	vshll.u32 v0, $0x4  }
0x29: {  	v1 =	vand.u32 $0x3FC00, v1;
	v0 =	vand.u32 $0x70, v0  }
0x2a: {  	v0 =	vor.u32 v0, v1  }
0x2b: {  	s31 =	sshll.u32 s15, $0x10  }
0x2c: {  	s15 =	sshra.s32 s31, $0x2  }
0x2d: {  	s15 =	sadd.s32 s15, s14  }
0x2e: {  	s17 =	sadd.s32 $0x0, s15  }
0x2f: {  	[tilespmem:s17], [sflag:$0x1] =	stream.indirect_vreg.gather [hbm:s2], $0x80, v0, vm0, $0x38;
	[tilespmem:$0x10040] =	vst v63  }
0x30: {  	p1 =	por p2, p2;
	s16 =	simm.s32 $0x1000;
	v1 =	vadd.s32 $0x80, v0;
	s17 =	sadd.s32 $0x2000, s17  }
.LBB2_4:
0x31: {  	[tilespmem:s17], [sflag:$0x1] =	stream.indirect_vreg.gather [hbm:s2], $0x80, v0, vm1, $0x38;
	[tilespmem:$0x10040] =	vst v63  }
0x32: {  	v0 =	vmov v1;
	s17 =	smov.u32 s16;
	p2 =	sne.s32 s16, $0x7000  }
.Ltmp3:
0x33: {  	s16 =	sadd.s32 $0x1000, s16;
	(pc) =	sbr.rel @p2 .LBB2_4-.Ltmp3, $4  }
0x34: {  	s17 =	sshra.s32 s17, $0x2  }
0x35: {  	s17 =	sadd.s32 s17, s15  }
0x36: {  	[tilespmem:s17], [sflag:$0x1] =	stream.indirect_vreg.gather [hbm:s2], $0x80, v1, vm0, $0x38;
	[tilespmem:$0x10040] =	vst v63  }
0x37: {  	s17 =	sadd.s32 $0x2000, s17;
	v1 =	vadd.s32 $0x80, v1  }
0x38: {  	_ = 	snop  }
.Ltmp4:
0x39: {  	_ = 	snop;
	(pc) =	sbr.rel @p1 .LBB2_3-.Ltmp4, $3  }
0x3a: {  	_ =	sdelay $0x1  }
0x3b: {  	[tilespmem:s17], [sflag:$0x1] =	stream.indirect_vreg.gather [hbm:s2], $0x80, v0, vm1, $0x38;
	[tilespmem:$0x10040] =	vst v63  }
0x3c: {  	s15 =	simm.s32 $0x1;
	p2 =	por $0x0, $0x0  }
0x3d: {  	s13 =	sshll.u32 s11, $0x7  }
0x3e: {  	s31 =	sshll.u32 s11, $0x4;
	s13 =	sand.u32 $0xFFFFFC00, s13  }
0x3f: {  	_ =	swait.ge [sflag:s4], $0x8000;
	s11 =	sand.u32 $0x70, s31;
	s13 =	sadd.s32 s13, s7  }
0x40: {  	s14 =	sadd.s32 $0x2000, s12;
	[sflag:s4] =	ssyncset.done $0x0;
	s11 =	sadd.s32 s11, s13  }
0x41: {  	[sflag:s4] =	ssyncadd.s32 $0xFFFF8000;
	s13 =	simm.s32 $0x400;
	s15 =	sadd.s32 $0x0, s11  }
.LBB2_7:
0x42: {  	[hbm:s15] =	stream.linear.scatter [tilespmem:s12], [sflag:$0x3], $0x2000, $0x38;
	[tilespmem:$0x10040] =	vst v63  }
0x43: {  	s15 =	smov.u32 s13;
	s12 =	smov.u32 s14;
	p1 =	sne.s32 s13, $0xC00  }
.Ltmp5:
0x44: {  	s13 =	sadd.s32 $0x400, s13;
	(pc) =	sbr.rel @p1 .LBB2_7-.Ltmp5, $2  }
0x45: {  	_ =	sdelay $0x2  }
0x46: {  	s14 =	sadd.s32 $0x2000, s14;
	s15 =	sadd.s32 s15, s11  }
.Ltmp6:
0x47: {  	(pc) =	sbr.rel .LBB2_9-.Ltmp6, $2  }
0x48: {  	_ =	sdelay $0x2  }
0x49: {  	[hbm:s15] =	stream.linear.scatter [tilespmem:s12], [sflag:$0x3], $0x2000, $0x38;
	[tilespmem:$0x10040] =	vst v63  }
.LBB2_10:
0x4a: {  	_ =	sfence.sel $0x180000  }
0x4b: {  	s2 =	simm.s32 $0x2;
	[bflag:$0x0] =	sbarrier.arrive $0xFFFF  }
0x4c: {  	s30 =	simm.s32 $0x3;
	[sflag:s2] =	ssyncpa.u1 $0x1  }
0x4d: {  	s31 =	simm.s32 $0x1;
	[sflag:s30] =	ssyncpa.u1 $0x1  }
0x4e: {  	[sflag:s31] =	ssyncpa.u1 $0x1  }
0x4f: {  	p0 =	sne.s32 s1, $0x0;
	_ =	strace $0x9000004A  }
0x50: {  	s0 =	sadd.s32 @!p0 $0x100000, s0;
	[bflag:$0x2] =	sbarrier.arrive $0xFFFF  }
0x51: {  	[sflag:s0] =	ssyncadd.tile.s32 @!p0 $0x1;
	_ =	shalt  }
.Lfunc_end2:
_tile_overlayer_lowered:
.L_overlay_start_2:
0x52: {  	(tag) =	ssettag $0x2  }
0x53: {  	s0 =	rddreg [dreg:$0x0];
	s2 =	stileid.u32  }
0x54: {  	s1 =	rddreg [dreg:$0x1];
	p0 =	sne.s32 s2, $0x0  }
0x55: {  	s3 =	rddreg [dreg:$0x2];
	[bflag:$0x3] =	sbarrier.arrive $0xFFFF;
	s2 =	simm.s32 @!p0 $0x1C01  }
0x56: {  	[timem:s3], [sflag:s2] =	dma.local @!p0 [hbm:s0], s1  }
0x57: {  	s0 =	simm.s32 @!p0 $0x1  }
0x58: {  	_ =	swait.ge @!p0 [sflag:s0], s1  }
0x59: {  	s1 =	ssub.s32 @!p0 $0x0, s1;
	[sflag:s0] =	ssyncset.done @!p0 $0x0  }
0x5a: {  	[sflag:s0] =	ssyncadd.s32 @!p0 s1  }
0x5b: {  	[bflag:$0x3] =	sbarrier.arrive $0xFFFF  }
0x5c: {  	_ =	shalt  }

// kernel: kernel.8.cloned.1.call-start
scs
__scs_entry_jumppad:
0x0: {  	(pc) =	sbr.rel $0x88, $3  }
0x1: {  	(tag) =	ssettag $0x0;
	lr =	simm.s32 $0x1  }
0x2: {  	[smem:$0x3F95] =	sst lr;
	_ =	strace $0xD0000000  }
0x3: {  	_ = 	snop  }
0x4: {  	_ = 	snop  }
0x5: {  	_ = 	snop  }
0x6: {  	_ = 	snop  }
0x7: {  	_ = 	snop  }
__scs_overlays_trampoline_lowered:
0x8: {  	[smem:$0x3FA4] =	sst s0  }
0x9: {  	[smem:$0x3FA5] =	sst s1  }
0xa: {  	[smem:$0x3FA6] =	sst s2  }
0xb: {  	[smem:$0x3FA7] =	sst s3  }
0xc: {  	[smem:$0x3FA8] =	sst s4  }
0xd: {  	[smem:$0x3FA9] =	sst s5  }
0xe: {  	[smem:$0x3FAA] =	sst s6  }
0xf: {  	[smem:$0x3FAB] =	sst s7  }
0x10: {  	[smem:$0x3FAC] =	sst s8  }
0x11: {  	[smem:$0x3FAD] =	sst s9;
	s0 =	simm.s32 @!p0 $0x0  }
0x12: {  	s1 =	sld [smem:$0x3F93];
	s0 =	simm.s32 @p0 $0x1  }
0x13: {  	[smem:$0x3FAE] =	sst s0;
	s0 =	simm.s32 @!p1 $0x0  }
0x14: {  	s2 =	sld [smem:$0x3F92];
	s0 =	simm.s32 @p1 $0x1  }
0x15: {  	[smem:$0x3FAF] =	sst s0;
	s0 =	simm.s32 @!p2 $0x0  }
0x16: {  	s3 =	sld [smem:$0x3FDB];
	s0 =	simm.s32 @p2 $0x1  }
0x17: {  	s4 =	simm.s32 $0x1BF5;
	[smem:$0x3FB1] =	sst s0  }
0x18: {  	s0 =	sld [smem:$0x3F94];
	_ =	swait.ge [sflag:s4], $0x0  }
0x19: {  	s7 =	sld [smem:$0x3F95]  }
0x1a: {  	s8 =	sadd.s32 $0xFFFFE003, lr  }
0x1b: {  	s9 =	sadd.s32 $0xFFFFFEF7, lr;
	s5 =	simm.s32 $0xFFFFFFFF;
	p2 =	slt.u32 s8, $0xFFFFF086  }
0x1c: {  	p1 =	slt.u32 s9, $0xF7A;
	s5 =	simm.s32 @!p2 $0x0  }
0x1d: {  	s5 =	simm.s32 @p1 $0x1;
	p0 =	seq.s32 s7, s2  }
0x1e: {  	s7 =	smul.u32 @!p0 $0xF7A, s2;
	p2 =	seq.s32 @!p0 s5, $0x0  }
0x1f: {  	s9 =	smul.u32 $0xF7A, s1;
	s8 =	simm.s32 @!p0 $0x1BF5;
	p2 =	por !p2, p0  }
0x20: {  	[sflag:s8] =	ssyncset.s32 @!p0 $0xFFFFF086;
	s6 =	sadd.s32 @!p0 s3, s7;
	s7 =	simm.s32 @!p0 $0x108  }
0x21: {  	s3 =	sadd.s32 s3, s9;
	s6 =	sadd.s32 @!p0 $0x88, s6;
	s7 =	simm.s32 @p2 $0x1082  }
0x22: {  	[simem:s7], [sflag:s8] =	dma.local @!p0 [hbm:s6], $0xF7A  }
0x23: {  	s9 =	sor.u32 $0xD0000000, s2;
	s6 =	simm.s32 $0x108;
	_ =	swait.ge @!p0 [sflag:s8], $0x0  }
0x24: {  	s3 =	sadd.s32 $0x88, s3;
	s6 =	simm.s32 @!p1 $0x1082;
	[sflag:s4] =	ssyncset.s32 $0xFFFFF086  }
0x25: {  	[simem:s6], [sflag:s4] =	dma.local [hbm:s3], $0xF7A  }
0x26: {  	[smem:$0x3F95] =	sst s1;
	(tag) =	ssettag s2;
	_ =	strace s9  }
0x27: {  	s1 =	sld [smem:$0x3FA5]  }
0x28: {  	s2 =	sld [smem:$0x3FA6]  }
0x29: {  	s4 =	sld [smem:$0x3FA8]  }
0x2a: {  	p0 =	seq.s32 s5, $0x0;
	s5 =	sld [smem:$0x3FA9]  }
0x2b: {  	s6 =	sld [smem:$0x3FAA]  }
0x2c: {  	s7 =	sld [smem:$0x3FAB]  }
0x2d: {  	s3 =	simm.s32 $0x108;
	s8 =	sld [smem:$0x3FAC]  }
0x2e: {  	s3 =	simm.s32 @!p0 $0x1082;
	s9 =	sld [smem:$0x3FAD]  }
0x2f: {  	lr =	sadd.s32 s0, s3;
	s0 =	sld [smem:$0x3FA4]  }
0x30: {  	s3 =	sld [smem:$0x3FA7]  }
0x31: {  	[smem:$0x3FB0] =	sst s10  }
0x32: {  	s10 =	sld [smem:$0x3FAE];
	_ =	sdelay $0x3  }
0x33: {  	p0 =	seq.s32 s10, $0x1;
	s10 =	sld [smem:$0x3FB0];
	_ =	sdelay $0x3  }
0x34: {  	[smem:$0x3FB0] =	sst s10  }
0x35: {  	s10 =	sld [smem:$0x3FAF];
	_ =	sdelay $0x3  }
0x36: {  	p1 =	seq.s32 s10, $0x1;
	s10 =	sld [smem:$0x3FB0];
	_ =	sdelay $0x3  }
0x37: {  	[smem:$0x3FB0] =	sst s10  }
0x38: {  	s10 =	sld [smem:$0x3FB1]  }
0x39: {  	_ = 	snop;
	(pc) =	sbr.ind lr, $3  }
0x3a: {  	_ = 	snop  }
0x3b: {  	_ = 	snop  }
0x3c: {  	p2 =	seq.s32 s10, $0x1;
	s10 =	sld [smem:$0x3FB0]  }
0x3d: {  	_ =	shalt  }
0x3e: {  	_ =	shalt  }
0x3f: {  	_ =	shalt  }
0x40: {  	_ =	shalt  }
0x41: {  	_ =	shalt  }
0x42: {  	_ =	shalt  }
0x43: {  	_ =	shalt  }
0x44: {  	_ =	shalt  }
0x45: {  	_ =	shalt  }
0x46: {  	_ =	shalt  }
0x47: {  	_ =	shalt  }
0x48: {  	_ =	shalt  }
0x49: {  	_ =	shalt  }
0x4a: {  	_ =	shalt  }
0x4b: {  	_ =	shalt  }
0x4c: {  	_ =	shalt  }
0x4d: {  	_ =	shalt  }
0x4e: {  	_ =	shalt  }
0x4f: {  	_ =	shalt  }
0x50: {  	_ =	shalt  }
0x51: {  	_ =	shalt  }
0x52: {  	_ =	shalt  }
0x53: {  	_ =	shalt  }
0x54: {  	_ =	shalt  }
0x55: {  	_ =	shalt  }
0x56: {  	_ =	shalt  }
0x57: {  	_ =	shalt  }
0x58: {  	_ =	shalt  }
0x59: {  	_ =	shalt  }
0x5a: {  	_ =	shalt  }
0x5b: {  	_ =	shalt  }
0x5c: {  	_ =	shalt  }
0x5d: {  	_ =	shalt  }
0x5e: {  	_ =	shalt  }
0x5f: {  	_ =	shalt  }
0x60: {  	_ =	shalt  }
0x61: {  	_ =	shalt  }
0x62: {  	_ =	shalt  }
0x63: {  	_ =	shalt  }
0x64: {  	_ =	shalt  }
0x65: {  	_ =	shalt  }
0x66: {  	_ =	shalt  }
0x67: {  	_ =	shalt  }
0x68: {  	_ =	shalt  }
0x69: {  	_ =	shalt  }
0x6a: {  	_ =	shalt  }
0x6b: {  	_ =	shalt  }
0x6c: {  	_ =	shalt  }
0x6d: {  	_ =	shalt  }
0x6e: {  	_ =	shalt  }
0x6f: {  	_ =	shalt  }
0x70: {  	_ =	shalt  }
0x71: {  	_ =	shalt  }
0x72: {  	_ =	shalt  }
0x73: {  	_ =	shalt  }
0x74: {  	_ =	shalt  }
0x75: {  	_ =	shalt  }
0x76: {  	_ =	shalt  }
0x77: {  	_ =	shalt  }
0x78: {  	_ =	shalt  }
0x79: {  	_ =	shalt  }
0x7a: {  	_ =	shalt  }
0x7b: {  	_ =	shalt  }
0x7c: {  	_ =	shalt  }
0x7d: {  	_ =	shalt  }
0x7e: {  	_ =	shalt  }
0x7f: {  	_ =	shalt  }
0x80: {  	_ =	shalt  }
0x81: {  	_ =	shalt  }
0x82: {  	_ =	shalt  }
0x83: {  	_ =	shalt  }
0x84: {  	_ =	shalt  }
0x85: {  	_ =	shalt  }
0x86: {  	_ =	shalt  }
0x87: {  	_ =	shalt  }
.Lfunc_end0:
.L_simem_size_0:
called_computation.1_lowered:
.L_overlay_start_0:
0x88: {  	s2 =	sld [smem:$0x3FD9]  }
0x89: {  	s3 =	sld [smem:$0x3FFE];
	_ =	sdelay $0x1  }
0x8a: {  	s1 =	srdreg.scid  }
0x8b: {  	s0 =	sand.u32 $0x1, s1  }
0x8c: {  	s17 =	sshll.u32 s0, $0xA;
	s2 =	sadd.s32 s3, s2  }
0x8d: {  	s2 =	sadd.s32 s2, s17  }
0x8e: {  	[smem:$0x3FBC] =	sst s2  }
0x8f: {  	_ = 	snop  }
0x90: {  	s2 =	sld [smem:$0x3FD0];
	(tm) =	ssettm $0x1  }
0x91: {  	s18 =	sld [smem:$0x3FFB];
	_ =	sdelay $0x3  }
0x92: {  	_ =	strace s18  }
0x93: {  	s3 =	sld [smem:$0x3FFC];
	_ =	sdelay $0x3  }
0x94: {  	_ =	strace s3  }
0x95: {  	s3 =	sld [smem:$0x3FFD];
	_ =	sdelay $0x3  }
0x96: {  	_ =	strace s3  }
0x97: {  	_ =	strace $0x8FFFFFFF  }
0x98: {  	s19 =	sld [smem:$0x3FDB];
	_ =	sdelay $0x1  }
0x99: {  	s4 =	simm.s32 $_scs_section_size  }
0x9a: {  	s5 =	simm.s32 $_size__tile_overlayer_lowered;
	s6 =	simm.s32 $_tile_overlayer_lowered  }
0x9b: {  	s22 =	simm.s32 $0x1BFF;
	s21 =	sshll.u32 s6, $0x1;
	s3 =	sadd.s32 s4, s19  }
0x9c: {  	s7 =	simm.s32 $0x0;
	s20 =	sshll.u32 s5, $0x1;
	s5 =	sadd.s32 s21, s3  }
0x9d: {  	[timem:s7], [sflag:s22] =	dma.local [hbm:s5], s20  }
0x9e: {  	_ =	swait.ge [sflag:s22], s20  }
0x9f: {  	s4 =	ssub.s32 $0x0, s20;
	[sflag:s22] =	ssyncset.done $0x0  }
0xa0: {  	[sflag:s22] =	ssyncadd.s32 s4;
	_ =	sdelay $0x1  }
0xa1: {  	s23 =	simm.s32 $0x1B8B  }
0xa2: {  	_ =	swait.ge [sflag:s23], $0x1  }
0xa3: {  	[sflag:s23] =	ssyncset.done $0x0  }
0xa4: {  	s25 =	simm.s32 $0x1B8E;
	s24 =	sld [smem:$0x3FFE];
	[sflag:s23] =	ssyncadd.s32 $0xFFFFFFFF  }
0xa5: {  	s26 =	simm.s32 $execute0_lowered;
	[smem:$0x3FD2] =	sst s25  }
0xa6: {  	s5 =	sshll.u32 s26, $0x1;
	_ =	strace $0x80000046;
	[dreg:$0x1] =	wrdreg $0xFFFFFFFF  }
0xa7: {  	s28 =	simm.s32 $_size_execute0_lowered;
	s3 =	sadd.s32 s3, s5;
	[dreg:$0x0] =	wrdreg $0x0  }
0xa8: {  	s5 =	sshll.u32 s28, $0x1;
	[dreg:$0x2] =	wrdreg s3  }
0xa9: {  	[dreg:$0x3] =	wrdreg s5  }
0xaa: {  	[dreg:$0x4] =	wrdreg $0xC0  }
0xab: {  	_ =	task [dreg:s7], $0x5FFFF  }
0xac: {  	[dreg:$0x1] =	wrdreg $0xFFFFFFFF  }
0xad: {  	[dreg:$0x0] =	wrdreg $0x60  }
0xae: {  	[dreg:$0x2] =	wrdreg s2  }
0xaf: {  	[dreg:$0x3] =	wrdreg s24  }
0xb0: {  	[dreg:$0x4] =	wrdreg $0x9  }
0xb1: {  	_ =	task.clear_ibuf [dreg:s7], $0x5FFFF;
	_ =	strace $0x90000046  }
0xb2: {  	s29 =	simm.s32 $0x9;
	_ =	strace $0x80000048  }
0xb3: {  	_ =	swait.ge [sflag:s29], $0x1  }
0xb4: {  	[sflag:s29] =	ssyncadd.s32 $0xFFFFFFFF  }
0xb5: {  	_ =	strace $0x90000048  }
0xb6: {  	_ =	sfence  }
0xb7: {  	s30 =	sld [smem:$0x0];
	_ =	sdelay $0x2  }
0xb8: {  	s31 =	sshll.u32 s1, $0xD;
	s1 =	sshrl.u32 s1, $0x2  }
0xb9: {  	s3 =	sand.u32 $0x4000, s31;
	s1 =	sadd.s32 s1, s30  }
0xba: {  	s0 =	sor.u32 s3, s0;
	s1 =	sshll.u32 s1, $0x11  }
0xbb: {  	s0 =	sor.u32 s1, s0  }
0xbc: {  	s0 =	sadd.s32 $0x8F2B, s0  }
0xbd: {  	[sflag:s0] =	ssyncadd.remote.s32 $0x1  }
0xbe: {  	_ =	sfence.sel $0xFFFF  }
0xbf: {  	[dreg:$0x0] =	wrdreg $0xFFFFFFFF;
	(pc) =	sbr.abs _section_cstart, $3  }
0xc0: {  	[dreg:$0x1] =	wrdreg $0xFFFFFFFF  }
0xc1: {  	_ =	task.clear_ibuf [dreg:s7], $0x2FFFF;
	_ =	strace $0x9FFFFFFF  }
0xc2: {  	(tm) =	ssettm $0x7FFFFFFF  }
0xc3: {  	_ =	shalt  }
tec
execute0_lowered:
.L_overlay_start_1:
0x0: {  	(tag) =	ssettag $0x1  }
0x1: {  	s1 =	srdreg.scid  }
0x2: {  	s0 =	stileid.u32;
	s3 =	rddreg [dreg:$0x0]  }
0x3: {  	s6 =	rddreg [dreg:$0x1];
	s18 =	simm.s32 $0x880;
	s19 =	simm.s32 $0x1080  }
0x4: {  	s20 =	simm.s32 $0x1880;
	s22 =	simm.s32 $0x2080;
	s23 =	simm.s32 $0x2880  }
0x5: {  	s7 =	simm.s32 $0x3080;
	s24 =	simm.s32 $0x3880;
	s8 =	simm.s32 $0x4080  }
0x6: {  	s25 =	simm.s32 $0x4880;
	s26 =	simm.s32 $0x5080;
	s1 =	sand.u32 $0x1, s1  }
0x7: {  	s9 =	simm.s32 $0x80;
	s2 =	sshll.u32 s0, $0x7;
	s4 =	sshll.u32 s1, $0x6  }
0x8: {  	s11 =	simm.s32 $0x6080;
	s4 =	sor.u32 s4, s2;
	s2 =	simm.s32 $0x0  }
0x9: {  	s12 =	simm.s32 $0x6880;
	s13 =	simm.s32 $0x7080;
	[smem:$0x7FF] =	sst s2  }
0xa: {  	s14 =	simm.s32 $0x7880;
	_ =	strace $0x80000047;
	[dreg:$0x5] =	wrdreg s18  }
0xb: {  	s15 =	simm.s32 $0x8080;
	s16 =	simm.s32 $0x8880;
	[dreg:$0x6] =	wrdreg s19  }
0xc: {  	s17 =	simm.s32 $0x9080;
	s28 =	simm.s32 $0xE080;
	[dreg:$0x7] =	wrdreg s20  }
0xd: {  	s29 =	simm.s32 $0xE880;
	s30 =	simm.s32 $0xF080;
	[dreg:$0x8] =	wrdreg s22  }
0xe: {  	s31 =	simm.s32 $0xF880;
	s1 =	ssub.s32 $0x2, s1;
	[dreg:$0x9] =	wrdreg s23  }
0xf: {  	s21 =	sshrl.u32 s1, $0x1;
	s5 =	sshrl.u32 s4, $0x3;
	[dreg:$0xa] =	wrdreg s7  }
0x10: {  	s4 =	sshll.u32 s4, $0x7;
	s1 =	ssub.s32 s1, s21;
	[dreg:$0xb] =	wrdreg s24  }
0x11: {  	s21 =	simm.s32 $0xB080;
	s5 =	sadd.s32 s5, s6;
	[dreg:$0xc] =	wrdreg s8  }
0x12: {  	s3 =	sadd.s32 s3, s4;
	s4 =	sadd.s32 $0x50700, s6;
	[dreg:$0xd] =	wrdreg s25  }
0x13: {  	s7 =	smax.u32 s1, $0x1;
	s8 =	simm.s32 $0x2;
	[dreg:$0xe] =	wrdreg s26  }
0x14: {  	s18 =	simm.s32 $0x9880;
	s19 =	simm.s32 $0xA080;
	s20 =	simm.s32 $0xA880  }
0x15: {  	s22 =	simm.s32 $0xB880;
	s23 =	simm.s32 $0xC080;
	s24 =	simm.s32 $0xC880  }
0x16: {  	v2 =	vlaneseq.u32;
	s25 =	simm.s32 $0xD080;
	s26 =	simm.s32 $0xD880;
	s1 =	simm.s32 $0x1  }
0x17: {  	vm0 =	vmmov $0xffff;
	v1 =	vshrl.u32 v2, $0x3;
	s5 =	sadd.s32 $0x50400, s5;
	[dreg:$0x4] =	wrdreg s3;
	s3 =	sadd.s32 $0x50600, s6  }
0x18: {  	v0 =	vand.u32 $0x7, v2;
	v2 =	vor.u32 $0x8, v2;
	v1 =	vmul.u32 $0x8, v1;
	[dreg:$0x3] =	wrdreg s5;
	s5 =	sadd.s32 $0x50800, s6;
	s6 =	sadd.s32 $0x50900, s6  }
.LBB2_1:
0x19: {  	s0 =	rddreg [dreg:$0x3]  }
0x1a: {  	[tilespmem:s2], [sflag:$0x2] =	stream.linear.gather [hbm4b:s0+s2], $0x40, $0x38;
	[tilespmem:$0x10080] =	vst v63  }
0x1b: {  	_ =	swait.ge [sflag:s8], $0x40  }
0x1c: {  	[sflag:s8] =	ssyncset.done $0x0  }
0x1d: {  	s10 =	rddreg [dreg:$0x4];
	[sflag:s8] =	ssyncadd.s32 $0xFFFFFFC0  }
0x1e: {  	[tilespmem:s9], [sflag:$0x2] =	stream.linear.gather [hbm4b:s10+s2], $0x10000, $0x38;
	[tilespmem:$0x10080] =	vst v63  }
0x1f: {  	_ =	swait.ge [sflag:s8], $0x10000  }
0x20: {  	[sflag:s8] =	ssyncset.done $0x0  }
0x21: {  	[sflag:s8] =	ssyncadd.s32 $0xFFFF0000  }
0x22: {  	v3 =	vld [tilespmem:$0x0];
	_ =	sdelay $0x4  }
0x23: {  	v4 =	vshll.u32 v3, $0x3  }
0x24: {  	v3 =	vand.u32 $0x7, v3;
	v4 =	vand.u32 $0xFFFFFFC0, v4  }
0x25: {  	v3 =	vor.u32 v3, v4  }
0x26: {  	v4 =	vperm.xlane v3, v0;
	_ =	sdelay $0x1  }
0x27: {  	v4 =	vadd.s32 v1, v4;
	_ =	sdelay $0x4  }
0x28: {  	[hbm4b:s3+s2] =	stream.indirect_vreg.scatter [tilespmem:s9], [sflag:$0x1], $0x80, v4, vm0, $0xb8;
	[tilespmem:$0x10080] =	vst v63  }
0x29: {  	s0 =	rddreg [dreg:$0x5];
	v3 =	vperm.xlane v3, v2  }
0x2a: {  	[hbm4b:s4+s2] =	stream.indirect_vreg.scatter [tilespmem:s0], [sflag:$0x1], $0x80, v4, vm0, $0xb8;
	[tilespmem:$0x10080] =	vst v63  }
0x2b: {  	s10 =	rddreg [dreg:$0x6];
	v3 =	vadd.s32 v1, v3  }
0x2c: {  	[hbm4b:s5+s2] =	stream.indirect_vreg.scatter [tilespmem:s10], [sflag:$0x1], $0x80, v4, vm0, $0xb8;
	[tilespmem:$0x10080] =	vst v63  }
0x2d: {  	s0 =	rddreg [dreg:$0x7]  }
0x2e: {  	[hbm4b:s6+s2] =	stream.indirect_vreg.scatter [tilespmem:s0], [sflag:$0x1], $0x80, v4, vm0, $0xb8;
	[tilespmem:$0x10080] =	vst v63  }
0x2f: {  	s10 =	rddreg [dreg:$0x8]  }
0x30: {  	[hbm4b:s3+s2] =	stream.indirect_vreg.scatter [tilespmem:s10], [sflag:$0x1], $0x80, v3, vm0, $0xb8;
	[tilespmem:$0x10080] =	vst v63  }
0x31: {  	s0 =	rddreg [dreg:$0x9]  }
0x32: {  	[hbm4b:s4+s2] =	stream.indirect_vreg.scatter [tilespmem:s0], [sflag:$0x1], $0x80, v3, vm0, $0xb8;
	[tilespmem:$0x10080] =	vst v63  }
0x33: {  	s10 =	rddreg [dreg:$0xa]  }
0x34: {  	[hbm4b:s5+s2] =	stream.indirect_vreg.scatter [tilespmem:s10], [sflag:$0x1], $0x80, v3, vm0, $0xb8;
	[tilespmem:$0x10080] =	vst v63  }
0x35: {  	s0 =	rddreg [dreg:$0xb]  }
0x36: {  	[hbm4b:s6+s2] =	stream.indirect_vreg.scatter [tilespmem:s0], [sflag:$0x1], $0x80, v3, vm0, $0xb8;
	[tilespmem:$0x10080] =	vst v63  }
0x37: {  	v3 =	vld [tilespmem:$0x10];
	_ =	sdelay $0x4  }
0x38: {  	v61 =	vshll.u32 v3, $0x3  }
0x39: {  	v3 =	vand.u32 $0x7, v3;
	v4 =	vand.u32 $0xFFFFFFC0, v61  }
0x3a: {  	v3 =	vor.u32 v3, v4  }
0x3b: {  	v4 =	vperm.xlane v3, v0;
	_ =	sdelay $0x1  }
0x3c: {  	v4 =	vadd.s32 v1, v4;
	_ =	sdelay $0x3  }
0x3d: {  	s0 =	rddreg [dreg:$0xc]  }
0x3e: {  	[hbm4b:s3+s2] =	stream.indirect_vreg.scatter [tilespmem:s0], [sflag:$0x1], $0x80, v4, vm0, $0xb8;
	[tilespmem:$0x10080] =	vst v63  }
0x3f: {  	s10 =	rddreg [dreg:$0xd];
	v3 =	vperm.xlane v3, v2  }
0x40: {  	[hbm4b:s4+s2] =	stream.indirect_vreg.scatter [tilespmem:s10], [sflag:$0x1], $0x80, v4, vm0, $0xb8;
	[tilespmem:$0x10080] =	vst v63  }
0x41: {  	v3 =	vadd.s32 v1, v3;
	s0 =	rddreg [dreg:$0xe]  }
0x42: {  	[hbm4b:s5+s2] =	stream.indirect_vreg.scatter [tilespmem:s0], [sflag:$0x1], $0x80, v4, vm0, $0xb8;
	[tilespmem:$0x10080] =	vst v63  }
0x43: {  	s10 =	simm.s32 $0x5880  }
0x44: {  	[hbm4b:s6+s2] =	stream.indirect_vreg.scatter [tilespmem:s10], [sflag:$0x1], $0x80, v4, vm0, $0xb8;
	[tilespmem:$0x10080] =	vst v63  }
0x45: {  	_ = 	snop  }
0x46: {  	[hbm4b:s3+s2] =	stream.indirect_vreg.scatter [tilespmem:s11], [sflag:$0x1], $0x80, v3, vm0, $0xb8;
	[tilespmem:$0x10080] =	vst v63  }
0x47: {  	_ = 	snop  }
0x48: {  	[hbm4b:s4+s2] =	stream.indirect_vreg.scatter [tilespmem:s12], [sflag:$0x1], $0x80, v3, vm0, $0xb8;
	[tilespmem:$0x10080] =	vst v63  }
0x49: {  	_ = 	snop  }
0x4a: {  	[hbm4b:s5+s2] =	stream.indirect_vreg.scatter [tilespmem:s13], [sflag:$0x1], $0x80, v3, vm0, $0xb8;
	[tilespmem:$0x10080] =	vst v63  }
0x4b: {  	_ = 	snop  }
0x4c: {  	[hbm4b:s6+s2] =	stream.indirect_vreg.scatter [tilespmem:s14], [sflag:$0x1], $0x80, v3, vm0, $0xb8;
	[tilespmem:$0x10080] =	vst v63  }
0x4d: {  	v3 =	vld [tilespmem:$0x20];
	_ =	sdelay $0x4  }
0x4e: {  	v62 =	vshll.u32 v3, $0x3  }
0x4f: {  	v3 =	vand.u32 $0x7, v3;
	v4 =	vand.u32 $0xFFFFFFC0, v62  }
0x50: {  	v3 =	vor.u32 v3, v4  }
0x51: {  	v4 =	vperm.xlane v3, v0;
	_ =	sdelay $0x1  }
0x52: {  	v4 =	vadd.s32 v1, v4;
	_ =	sdelay $0x4  }
0x53: {  	[hbm4b:s3+s2] =	stream.indirect_vreg.scatter [tilespmem:s15], [sflag:$0x1], $0x80, v4, vm0, $0xb8;
	[tilespmem:$0x10080] =	vst v63  }
0x54: {  	v3 =	vperm.xlane v3, v2  }
0x55: {  	[hbm4b:s4+s2] =	stream.indirect_vreg.scatter [tilespmem:s16], [sflag:$0x1], $0x80, v4, vm0, $0xb8;
	[tilespmem:$0x10080] =	vst v63  }
0x56: {  	v3 =	vadd.s32 v1, v3  }
0x57: {  	[hbm4b:s5+s2] =	stream.indirect_vreg.scatter [tilespmem:s17], [sflag:$0x1], $0x80, v4, vm0, $0xb8;
	[tilespmem:$0x10080] =	vst v63  }
0x58: {  	_ = 	snop  }
0x59: {  	[hbm4b:s6+s2] =	stream.indirect_vreg.scatter [tilespmem:s18], [sflag:$0x1], $0x80, v4, vm0, $0xb8;
	[tilespmem:$0x10080] =	vst v63  }
0x5a: {  	_ = 	snop  }
0x5b: {  	[hbm4b:s3+s2] =	stream.indirect_vreg.scatter [tilespmem:s19], [sflag:$0x1], $0x80, v3, vm0, $0xb8;
	[tilespmem:$0x10080] =	vst v63  }
0x5c: {  	_ = 	snop  }
0x5d: {  	[hbm4b:s4+s2] =	stream.indirect_vreg.scatter [tilespmem:s20], [sflag:$0x1], $0x80, v3, vm0, $0xb8;
	[tilespmem:$0x10080] =	vst v63  }
0x5e: {  	_ = 	snop  }
0x5f: {  	[hbm4b:s5+s2] =	stream.indirect_vreg.scatter [tilespmem:s21], [sflag:$0x1], $0x80, v3, vm0, $0xb8;
	[tilespmem:$0x10080] =	vst v63  }
0x60: {  	_ = 	snop  }
0x61: {  	[hbm4b:s6+s2] =	stream.indirect_vreg.scatter [tilespmem:s22], [sflag:$0x1], $0x80, v3, vm0, $0xb8;
	[tilespmem:$0x10080] =	vst v63  }
0x62: {  	v3 =	vld [tilespmem:$0x30];
	_ =	sdelay $0x4  }
0x63: {  	v63 =	vshll.u32 v3, $0x3  }
0x64: {  	v3 =	vand.u32 $0x7, v3;
	v4 =	vand.u32 $0xFFFFFFC0, v63  }
0x65: {  	v3 =	vor.u32 v3, v4  }
0x66: {  	v4 =	vperm.xlane v3, v0;
	_ =	sdelay $0x1  }
0x67: {  	v4 =	vadd.s32 v1, v4;
	_ =	sdelay $0x4  }
0x68: {  	[hbm4b:s3+s2] =	stream.indirect_vreg.scatter [tilespmem:s23], [sflag:$0x1], $0x80, v4, vm0, $0xb8;
	[tilespmem:$0x10080] =	vst v63  }
0x69: {  	v3 =	vperm.xlane v3, v2  }
0x6a: {  	[hbm4b:s4+s2] =	stream.indirect_vreg.scatter [tilespmem:s24], [sflag:$0x1], $0x80, v4, vm0, $0xb8;
	[tilespmem:$0x10080] =	vst v63  }
0x6b: {  	v3 =	vadd.s32 v1, v3  }
0x6c: {  	[hbm4b:s5+s2] =	stream.indirect_vreg.scatter [tilespmem:s25], [sflag:$0x1], $0x80, v4, vm0, $0xb8;
	[tilespmem:$0x10080] =	vst v63  }
0x6d: {  	_ = 	snop  }
0x6e: {  	[hbm4b:s6+s2] =	stream.indirect_vreg.scatter [tilespmem:s26], [sflag:$0x1], $0x80, v4, vm0, $0xb8;
	[tilespmem:$0x10080] =	vst v63  }
0x6f: {  	_ = 	snop  }
0x70: {  	[hbm4b:s3+s2] =	stream.indirect_vreg.scatter [tilespmem:s28], [sflag:$0x1], $0x80, v3, vm0, $0xb8;
	[tilespmem:$0x10080] =	vst v63  }
0x71: {  	_ = 	snop  }
0x72: {  	[hbm4b:s4+s2] =	stream.indirect_vreg.scatter [tilespmem:s29], [sflag:$0x1], $0x80, v3, vm0, $0xb8;
	[tilespmem:$0x10080] =	vst v63  }
0x73: {  	p0 =	sne.s32 s7, $0x1  }
0x74: {  	[hbm4b:s5+s2] =	stream.indirect_vreg.scatter [tilespmem:s30], [sflag:$0x1], $0x80, v3, vm0, $0xb8;
	[tilespmem:$0x10080] =	vst v63  }
.Ltmp0:
0x75: {  	_ = 	snop;
	(pc) =	sbr.rel @p0 .LBB2_1-.Ltmp0, $4  }
0x76: {  	[hbm4b:s6+s2] =	stream.indirect_vreg.scatter [tilespmem:s31], [sflag:$0x1], $0x80, v3, vm0, $0xb8;
	[tilespmem:$0x10080] =	vst v63  }
0x77: {  	_ =	swait.ge [sflag:s1], $0x10000  }
0x78: {  	[sflag:s1] =	ssyncset.done $0x0  }
0x79: {  	s7 =	sadd.s32 $0xFFFFFFFF, s7;
	[sflag:s1] =	ssyncadd.s32 $0xFFFF0000  }
0x7a: {  	_ =	sfence.sel $0x180000  }
0x7b: {  	[bflag:$0x0] =	sbarrier.arrive $0xFFFF  }
0x7c: {  	_ =	strace $0x90000047  }
0x7d: {  	s0 =	stileid.u32;
	[bflag:$0x2] =	sbarrier.arrive $0xFFFF  }
0x7e: {  	p0 =	sne.s32 s0, $0x0;
	s0 =	rddreg [dreg:$0x2]  }
0x7f: {  	s0 =	sadd.s32 @!p0 $0x100000, s0  }
0x80: {  	[sflag:s0] =	ssyncadd.tile.s32 @!p0 $0x1;
	_ =	shalt  }
.Lfunc_end2:
_tile_overlayer_lowered:
.L_overlay_start_2:
0x81: {  	(tag) =	ssettag $0x2  }
0x82: {  	s0 =	rddreg [dreg:$0x0];
	s2 =	stileid.u32  }
0x83: {  	s1 =	rddreg [dreg:$0x1];
	p0 =	sne.s32 s2, $0x0  }
0x84: {  	s3 =	rddreg [dreg:$0x2];
	[bflag:$0x3] =	sbarrier.arrive $0xFFFF;
	s2 =	simm.s32 @!p0 $0x1C02  }
0x85: {  	[timem:s3], [sflag:s2] =	dma.local @!p0 [hbm:s0], s1  }
0x86: {  	s0 =	simm.s32 @!p0 $0x2  }
0x87: {  	_ =	swait.ge @!p0 [sflag:s0], s1  }
0x88: {  	s1 =	ssub.s32 @!p0 $0x0, s1;
	[sflag:s0] =	ssyncset.done @!p0 $0x0  }
0x89: {  	[sflag:s0] =	ssyncadd.s32 @!p0 s1  }
0x8a: {  	[bflag:$0x3] =	sbarrier.arrive $0xFFFF  }
0x8b: {  	_ =	shalt  }

</sc_bundles>
